<compile_context>
chip_gen: v7x
topology: tpu7x:2x2x1
jax: 0.10.2.dev20260603
libtpu: 0.0.44.dev20260713+nightly
codegen_flags: <defaults>
</compile_context>

<pallas_src>
import functools

import jax
import jax.numpy as jnp
from jax import lax
from jax.experimental import pallas as pl
from jax.experimental.pallas import tpu as pltpu
from jax.experimental.pallas import tpu_sc as plsc

N = 10000
G = 64
DIN = 128
H = 64
H2 = 32
OUT = 2

NPAD = 10112
ZR = NPAD // 16
C = 128
NC, NS = 2, 16
EPS = 1e-5


def _mesh():
    return plsc.VectorSubcoreMesh(core_axis_name="c", subcore_axis_name="s")



def _make_deg_kernel(K):
    DW = 8

    @functools.partial(
        pl.kernel,
        out_type=jax.ShapeDtypeStruct((NC, NPAD, DW), jnp.float32),
        mesh=_mesh(),
        compiler_params=pltpu.CompilerParams(use_tc_tiling_on_sc=False),
        scratch_types=[
            pltpu.VMEM((K, C), jnp.int32),
            pltpu.VMEM((C, DW), jnp.float32),
            pltpu.VMEM_SHARED((NPAD, DW), jnp.float32),
        ],
    )
    def deg_kernel(edge_hbm, ones_hbm, zeros_hbm, out_hbm,
                   dst_v, ones_v, acc_sh):
        c = lax.axis_index("c")
        s = lax.axis_index("s")
        pltpu.sync_copy(zeros_hbm.at[pl.ds(s * ZR, ZR)],
                        acc_sh.at[pl.ds(s * ZR, ZR)])
        pltpu.sync_copy(edge_hbm.at[1, :, c, s], dst_v)
        pltpu.sync_copy(ones_hbm, ones_v)
        plsc.subcore_barrier()

        def body(j, carry):
            pltpu.sync_copy(ones_v, acc_sh.at[dst_v.at[j]], add=True)
            return carry

        lax.fori_loop(0, K, body, 0)
        plsc.subcore_barrier()
        pltpu.sync_copy(acc_sh.at[pl.ds(s * ZR, ZR)],
                        out_hbm.at[c].at[pl.ds(s * ZR, ZR)])

    return deg_kernel


def _make_prop_kernel(K, W):

    @functools.partial(
        pl.kernel,
        out_type=jax.ShapeDtypeStruct((NC, NPAD, W), jnp.float32),
        mesh=_mesh(),
        compiler_params=pltpu.CompilerParams(use_tc_tiling_on_sc=False),
        scratch_types=[
            pltpu.VMEM((K, C), jnp.int32),
            pltpu.VMEM((K, C), jnp.int32),
            pltpu.VMEM((C, W), jnp.float32),
            pltpu.VMEM((C, W), jnp.float32),
            pltpu.VMEM_SHARED((NPAD, W), jnp.float32),
            pltpu.SemaphoreType.DMA,
            pltpu.SemaphoreType.DMA,
        ],
    )
    def prop_kernel(hs_hbm, edge_hbm, zeros_hbm, out_hbm,
                    src_v, dst_v, rows_a, rows_b, acc_sh, sem_a, sem_b):
        c = lax.axis_index("c")
        s = lax.axis_index("s")
        pltpu.sync_copy(zeros_hbm.at[pl.ds(s * ZR, ZR)],
                        acc_sh.at[pl.ds(s * ZR, ZR)])
        pltpu.sync_copy(edge_hbm.at[0, :, c, s], src_v)
        pltpu.sync_copy(edge_hbm.at[1, :, c, s], dst_v)
        plsc.subcore_barrier()

        pltpu.async_copy(hs_hbm.at[src_v.at[0]], rows_a, sem_a)

        def body2(i, carry):
            j = 2 * i

            @pl.when(j + 1 < K)
            def _():
                pltpu.async_copy(hs_hbm.at[src_v.at[j + 1]], rows_b, sem_b)

            pltpu.make_async_copy(hs_hbm.at[src_v.at[j]], rows_a, sem_a).wait()
            pltpu.sync_copy(rows_a, acc_sh.at[dst_v.at[j]], add=True)

            @pl.when(j + 2 < K)
            def _():
                pltpu.async_copy(hs_hbm.at[src_v.at[j + 2]], rows_a, sem_a)

            @pl.when(j + 1 < K)
            def _():
                pltpu.make_async_copy(
                    hs_hbm.at[src_v.at[j + 1]], rows_b, sem_b).wait()
                pltpu.sync_copy(rows_b, acc_sh.at[dst_v.at[j + 1]], add=True)

            return carry

        lax.fori_loop(0, (K + 1) // 2, body2, 0)
        plsc.subcore_barrier()
        pltpu.sync_copy(acc_sh.at[pl.ds(s * ZR, ZR)],
                        out_hbm.at[c].at[pl.ds(s * ZR, ZR)])

    return prop_kernel



def _row_mask():
    rows = lax.broadcasted_iota(jnp.int32, (NPAD, 1), 0)
    return rows < N


def _stage_a0(x_ref, w_ref, u_ref):
    u_ref[...] = jnp.dot(x_ref[...], w_ref[...],
                         preferred_element_type=jnp.float32)


def _stage_a1(u_ref, degp_ref, hs_ref, dis_ref):
    deg = degp_ref[0][:, 0:1] + degp_ref[1][:, 0:1]
    valid = _row_mask() & (deg > 0.0)
    dis = jnp.where(valid, lax.rsqrt(jnp.maximum(deg, 1e-20)), 0.0)
    dis_ref[...] = dis
    hs_ref[...] = u_ref[...] * dis


def _stage_b(narrow_out):
    def body(accq_ref, dis2_ref, b_ref, g_ref, be_ref, wblk_ref, hs_ref):
        dis2 = dis2_ref[...]
        mf = (dis2 > 0.0).astype(jnp.float32)
        h = ((accq_ref[0] + accq_ref[1]) * dis2 + b_ref[...]) * mf
        s = jnp.sum(h, axis=0, keepdims=True)
        mu = jnp.concatenate([(s[:, 0:H] + s[:, H:2 * H]) * (1.0 / N)] * 2,
                             axis=1)
        d = (h - mu) * mf
        v = jnp.sum(d * d, axis=0, keepdims=True)
        var = jnp.concatenate([(v[:, 0:H] + v[:, H:2 * H]) * (1.0 / N)] * 2,
                              axis=1)
        y = (h - mu) * lax.rsqrt(var + EPS) * g_ref[...] + be_ref[...]
        y = jnp.maximum(y, 0.0) * mf
        out = jnp.dot(y, wblk_ref[...], preferred_element_type=jnp.float32)
        if narrow_out:
            disn = jnp.concatenate([dis2[:, 0:H2], dis2[:, H:H + H2]], axis=1)
            hs_ref[...] = out * disn
        else:
            hs_ref[...] = out * dis2

    return body


def _c4(v, op):
    return op(op(v[:, 0:H2], v[:, H2:2 * H2]),
              op(v[:, 2 * H2:3 * H2], v[:, 3 * H2:4 * H2]))


def _stage_c(accq_ref, disq_ref, b4_ref, g4_ref, be4_ref, bid128_ref,
             bid_ref, wc1a_ref, wc1b_ref, bc1_ref, wc2_ref, bc2_ref,
             out_ref, sums_ref, mx_ref):
    b128 = bid128_ref[...]
    mf = (b128 < G).astype(jnp.float32)
    h = ((accq_ref[0] + accq_ref[1]) * disq_ref[...] + b4_ref[...]) * mf
    s = jnp.sum(h, axis=0, keepdims=True)
    mu = jnp.concatenate([_c4(s, jnp.add) * (1.0 / N)] * 4, axis=1)
    d = (h - mu) * mf
    v = jnp.sum(d * d, axis=0, keepdims=True)
    var = jnp.concatenate([_c4(v, jnp.add) * (1.0 / N)] * 4, axis=1)
    y = (h - mu) * lax.rsqrt(var + EPS) * g4_ref[...] + be4_ref[...]
    y = jnp.maximum(y, 0.0) * mf

    bid = bid_ref[...]
    oh = (bid == lax.broadcasted_iota(jnp.int32, (1, G), 1)).astype(jnp.float32)
    mcol = (bid < G).astype(jnp.float32)
    counts = lax.dot_general(oh, mcol, (((0,), (0,)), ((), ())),
                             preferred_element_type=jnp.float32)

    def gbody(g, carry):
        ym = jnp.where(b128 == g, y, 0.0)
        sg = jnp.sum(ym, axis=0, keepdims=True)
        mg = jnp.max(ym, axis=0, keepdims=True)
        sums_ref[pl.ds(g, 1), :] = _c4(sg, jnp.add)
        mx_ref[pl.ds(g, 1), :] = _c4(mg, jnp.maximum)
        return carry

    lax.fori_loop(0, G, gbody, 0)
    mean = sums_ref[...] / jnp.maximum(counts, 1.0)
    mx = mx_ref[...]

    zz = (lax.dot_general(mean, wc1a_ref[...], (((1,), (0,)), ((), ())),
                          preferred_element_type=jnp.float32)
          + lax.dot_general(mx, wc1b_ref[...], (((1,), (0,)), ((), ())),
                            preferred_element_type=jnp.float32)
          + bc1_ref[...])
    zz = jnp.maximum(zz, 0.0)
    out_ref[...] = lax.dot_general(zz, wc2_ref[...], (((1,), (0,)), ((), ())),
                                   preferred_element_type=jnp.float32) + bc2_ref[...]



def kernel(x, edge_index, batch, W1, b1, g1, be1, W2, b2, g2, be2,
           W3, b3, g3, be3, Wc1, bc1, Wc2, bc2):
    E = edge_index.shape[1]
    ET = E + N

    K = -(-ET // (NC * NS * C))
    PADLEN = NC * NS * K * C - ET

    ei = edge_index.astype(jnp.int32)
    sl = jnp.arange(N, dtype=jnp.int32)
    loops = jnp.stack([sl, sl])
    padblk = jnp.stack([jnp.zeros((PADLEN,), jnp.int32),
                        N + (jnp.arange(PADLEN, dtype=jnp.int32) %
                             (NPAD - N))])
    e4 = jnp.concatenate([ei, loops, padblk], axis=1).reshape(2, K, NC, NS, C)

    xp = jnp.pad(x, ((0, NPAD - N), (0, 0)))
    bidp = jnp.pad(batch.astype(jnp.int32), (0, NPAD - N),
                   constant_values=G).reshape(NPAD, 1)

    ones16 = jnp.ones((C, 8), jnp.float32)
    zeros16 = jnp.zeros((NPAD, 8), jnp.float32)
    zeros64 = jnp.zeros((NPAD, H), jnp.float32)
    zeros32 = jnp.zeros((NPAD, H2), jnp.float32)

    degp = _make_deg_kernel(K)(e4, ones16, zeros16)
    u1 = pl.pallas_call(
        _stage_a0,
        out_shape=jax.ShapeDtypeStruct((NPAD, H), jnp.float32),
    )(xp, W1)

    hs1, dis = pl.pallas_call(
        _stage_a1,
        out_shape=(jax.ShapeDtypeStruct((NPAD, H), jnp.float32),
                   jax.ShapeDtypeStruct((NPAD, 1), jnp.float32)),
    )(u1, degp)

    prop64 = _make_prop_kernel(K, H)
    prop32 = _make_prop_kernel(K, H2)

    NP2 = NPAD // 2
    dis2 = jnp.broadcast_to(dis, (NPAD, H)).reshape(NP2, 2 * H)
    zb = jnp.zeros((H, H), jnp.float32)
    w2blk = jnp.concatenate(
        [jnp.concatenate([W2, zb], 1), jnp.concatenate([zb, W2], 1)], 0)
    zb2 = jnp.zeros((H, H2), jnp.float32)
    w3blk = jnp.concatenate(
        [jnp.concatenate([W3, zb2], 1), jnp.concatenate([zb2, W3], 1)], 0)

    def b_call(accp, b, g, be, wblk, wout, narrow):
        return pl.pallas_call(
            _stage_b(narrow),
            out_shape=jax.ShapeDtypeStruct((NP2, wout), jnp.float32),
        )(accp.reshape(NC, NP2, 2 * H), dis2,
          jnp.tile(b.reshape(1, H), (1, 2)), jnp.tile(g.reshape(1, H), (1, 2)),
          jnp.tile(be.reshape(1, H), (1, 2)), wblk)

    accp1 = prop64(hs1, e4, zeros64)
    hs2 = b_call(accp1, b1, g1, be1, w2blk, 2 * H, False).reshape(NPAD, H)

    accp2 = prop64(hs2, e4, zeros64)
    hs3 = b_call(accp2, b2, g2, be2, w3blk, 2 * H2, True).reshape(NPAD, H2)

    accp3 = prop32(hs3, e4, zeros32)

    NQ = NPAD // 4
    accq3 = accp3.reshape(NC, NQ, 4 * H2)
    disq = jnp.broadcast_to(dis, (NPAD, H2)).reshape(NQ, 4 * H2)
    bid128 = jnp.broadcast_to(bidp, (NPAD, H2)).reshape(NQ, 4 * H2)
    b4 = jnp.tile(b3.reshape(1, H2), (1, 4))
    g4 = jnp.tile(g3.reshape(1, H2), (1, 4))
    be4 = jnp.tile(be3.reshape(1, H2), (1, 4))

    out = pl.pallas_call(
        _stage_c,
        out_shape=jax.ShapeDtypeStruct((G, OUT), jnp.float32),
        scratch_shapes=[pltpu.VMEM((G, H2), jnp.float32),
                        pltpu.VMEM((G, H2), jnp.float32)],
    )(accq3, disq, b4, g4, be4, bid128, bidp,
      Wc1[:H2], Wc1[H2:], bc1.reshape(1, H2), Wc2, bc2.reshape(1, OUT))

    return out

# --- scband reference (transcript-rebuilt; emitter-appended) ---
"""Pipeline reference for scband-graph-conv-net-66795331387690 (READ-ONLY COPY).

The authoritative reference and input builder live on the scoring server;
editing this copy changes nothing except your own understanding.
"""

import jax, jax.numpy as jnp
import numpy as np

N = 10000
E = 320000
G = 64
DIN = 128
H = 64
H2 = 32
OUT = 2


def gcn_conv(x, src, dst, W, b, n):
    # symmetric-normalized GCN propagation (self-loops already appended to src/dst)
    h = x @ W
    deg = jax.ops.segment_sum(jnp.ones(src.shape, dtype=h.dtype), dst, num_segments=n)
    dis = jnp.where(deg > 0, 1.0 / jnp.sqrt(deg), 0.0)
    norm = dis[src] * dis[dst]
    msg = h[src] * norm[:, None]
    out = jax.ops.segment_sum(msg, dst, num_segments=n)
    return out + b


def batch_norm(x, gamma, beta, eps=1e-5):
    mu = jnp.mean(x, axis=0)
    var = jnp.mean((x - mu) ** 2, axis=0)
    return (x - mu) / jnp.sqrt(var + eps) * gamma + beta


def setup_inputs(seed: int = 0):
    key = jax.random.key(seed)
    ks = jax.random.split(key, 12)

    def lin(k, fi, fo):
        s = 1.0 / np.sqrt(fi)
        return jax.random.uniform(k, (fi, fo), minval=-s, maxval=s, dtype=jnp.float32)

    x = jax.random.normal(ks[0], (N, DIN), dtype=jnp.float32)
    edge_index = jax.random.randint(ks[1], (2, E), 0, N).astype(jnp.int64)
    batch = jnp.sort(jax.random.randint(ks[2], (N,), 0, G)).astype(jnp.int64)
    return {
        'x': x,
        'edge_index': edge_index,
        'batch': batch,
        'W1': lin(ks[3], DIN, H), 'b1': jnp.zeros((H,), jnp.float32),
        'g1': jnp.ones((H,), jnp.float32), 'be1': jnp.zeros((H,), jnp.float32),
        'W2': lin(ks[4], H, H), 'b2': jnp.zeros((H,), jnp.float32),
        'g2': jnp.ones((H,), jnp.float32), 'be2': jnp.zeros((H,), jnp.float32),
        'W3': lin(ks[5], H, H2), 'b3': jnp.zeros((H2,), jnp.float32),
        'g3': jnp.ones((H2,), jnp.float32), 'be3': jnp.zeros((H2,), jnp.float32),
        'Wc1': lin(ks[6], H, H2), 'bc1': jnp.zeros((H2,), jnp.float32),
        'Wc2': lin(ks[7], H2, OUT), 'bc2': jnp.zeros((OUT,), jnp.float32),
    }


def reference(x, edge_index, batch, W1, b1, g1, be1, W2, b2, g2, be2, W3, b3, g3, be3, Wc1, bc1, Wc2, bc2):
    sl = jnp.arange(N, dtype=edge_index.dtype)
    src = jnp.concatenate([edge_index[0], sl])
    dst = jnp.concatenate([edge_index[1], sl])

    h = gcn_conv(x, src, dst, W1, b1, N)
    h = jax.nn.relu(batch_norm(h, g1, be1))
    h = gcn_conv(h, src, dst, W2, b2, N)
    h = jax.nn.relu(batch_norm(h, g2, be2))
    h = gcn_conv(h, src, dst, W3, b3, N)
    h = jax.nn.relu(batch_norm(h, g3, be3))

    sums = jax.ops.segment_sum(h, batch, num_segments=G)
    counts = jax.ops.segment_sum(jnp.ones((N, 1), h.dtype), batch, num_segments=G)
    x_mean = sums / jnp.maximum(counts, 1.0)
    x_max = jax.ops.segment_max(h, batch, num_segments=G)
    x_max = jnp.where(jnp.isfinite(x_max), x_max, 0.0)

    z = jnp.concatenate([x_mean, x_max], axis=1)
    z = jax.nn.relu(z @ Wc1 + bc1)
    return z @ Wc2 + bc2

if __name__ == "__main__":
    import jax
    _d = setup_inputs()
    print(jax.jit(kernel)(*tuple(_d.values())))

</pallas_src>

<mosaic_0001>
#map = affine_map<(d0, d1) -> (0, 0)>
#map1 = affine_map<(d0, d1) -> (0, 0, 0, 0, 0)>
#map2 = affine_map<(d0, d1) -> (0, 0, 0)>
module attributes {stable_mosaic.version = 14 : i64} {
  func.func @prop_kernel(%arg0: i32, %arg1: i32, %arg2: memref<10112x64xf32, #tpu.memory_space<hbm>>, %arg3: memref<2x81x2x16x128xi32, #tpu.memory_space<hbm>>, %arg4: memref<10112x64xf32, #tpu.memory_space<hbm>>, %arg5: memref<2x10112x64xf32, #tpu.memory_space<hbm>>, %arg6: memref<81x128xi32, #tpu.memory_space<vmem>>, %arg7: memref<81x128xi32, #tpu.memory_space<vmem>>, %arg8: memref<128x64xf32, #tpu.memory_space<vmem>>, %arg9: memref<128x64xf32, #tpu.memory_space<vmem>>, %arg10: memref<10112x64xf32, #tpu.memory_space<vmem_shared>>, %arg11: memref<!tpu.dma_semaphore, #tpu.memory_space<semaphore_mem>>, %arg12: memref<!tpu.dma_semaphore, #tpu.memory_space<semaphore_mem>>) attributes {dimension_semantics = [#tpu.dimension_semantics<core_parallel>, #tpu.dimension_semantics<subcore_parallel>], iteration_bounds = array<i64: 2, 16>, scalar_prefetch = 0 : i64, scratch_operands = 7 : i64, tpu.core_type = #tpu.core_type<sc_vector_subcore>, window_params = [{transform_indices = #map}, {transform_indices = #map1}, {transform_indices = #map}, {transform_indices = #map2}]} {
    %mul3A = arith.constant 632 : i32
    %mul3A_0 = arith.muli %arg1, %mul3A : i32
    %mul3A_1 = arith.constant 632 : i32
    %mul3A_2 = arith.muli %arg1, %mul3A_1 : i32
    "tpu.region"() ({
      %run_scoped3A_20 = tpu.sem_alloc : memref<!tpu.dma_semaphore, #tpu.memory_space<semaphore_mem>>
      %dma_start3A_21 = arith.constant 0 : i32
      %dma_start3A_22 = tpu.memref_slice %arg10[%mul3A_2, %dma_start3A_21] : memref<10112x64xf32, #tpu.memory_space<vmem_shared>> -> memref<632x64xf32, #tpu.memory_space<vmem_shared>>
      %dma_start3A_23 = arith.constant 0 : i32
      %dma_start3A_24 = tpu.memref_slice %arg4[%mul3A_0, %dma_start3A_23] : memref<10112x64xf32, #tpu.memory_space<hbm>> -> memref<632x64xf32, #tpu.memory_space<hbm>>
      tpu.enqueue_dma source(%dma_start3A_24 : memref<632x64xf32, #tpu.memory_space<hbm>>) target(%dma_start3A_22 : memref<632x64xf32, #tpu.memory_space<vmem_shared>>) target_semaphore(%run_scoped3A_20 : memref<!tpu.dma_semaphore, #tpu.memory_space<semaphore_mem>>)
      %dma_wait3A = arith.constant 0 : i32
      %dma_wait3A_25 = tpu.memref_slice %arg10[%mul3A_2, %dma_wait3A] : memref<10112x64xf32, #tpu.memory_space<vmem_shared>> -> memref<632x64xf32, #tpu.memory_space<vmem_shared>>
      %dma_wait3A_26 = arith.constant 0 : i32
      %dma_wait3A_27 = tpu.memref_slice %arg4[%mul3A_0, %dma_wait3A_26] : memref<10112x64xf32, #tpu.memory_space<hbm>> -> memref<632x64xf32, #tpu.memory_space<hbm>>
      tpu.wait_dma2 semaphore(%run_scoped3A_20 : memref<!tpu.dma_semaphore, #tpu.memory_space<semaphore_mem>>) src(%dma_wait3A_27 : memref<632x64xf32, #tpu.memory_space<hbm>>) dst(%dma_wait3A_25 : memref<632x64xf32, #tpu.memory_space<vmem_shared>>)
      tpu.yield
    }) : () -> ()
    %run_scoped3A = arith.constant 0 : i32
    "tpu.region"() ({
      %run_scoped3A_20 = tpu.sem_alloc : memref<!tpu.dma_semaphore, #tpu.memory_space<semaphore_mem>>
      %dma_start3A_21 = arith.constant 0 : i32
      %dma_start3A_22 = arith.constant 0 : i32
      %dma_start3A_23 = tpu.memref_slice %arg3[%run_scoped3A, %dma_start3A_21, %arg0, %arg1, %dma_start3A_22] : memref<2x81x2x16x128xi32, #tpu.memory_space<hbm>> -> memref<1x81x1x1x128xi32, #tpu.memory_space<hbm>>
      %dma_start3A_24 = tpu.memref_squeeze %dma_start3A_23 : memref<1x81x1x1x128xi32, #tpu.memory_space<hbm>> -> memref<81x128xi32, #tpu.memory_space<hbm>>
      %dma_start3A_25 = arith.constant 0 : i32
      %dma_start3A_26 = arith.constant 0 : i32
      %dma_start3A_27 = tpu.memref_slice %arg3[%run_scoped3A, %dma_start3A_25, %arg0, %arg1, %dma_start3A_26] : memref<2x81x2x16x128xi32, #tpu.memory_space<hbm>> -> memref<1x81x1x1x128xi32, #tpu.memory_space<hbm>>
      %dma_start3A_28 = tpu.memref_squeeze %dma_start3A_27 : memref<1x81x1x1x128xi32, #tpu.memory_space<hbm>> -> memref<81x128xi32, #tpu.memory_space<hbm>>
      tpu.enqueue_dma source(%dma_start3A_28 : memref<81x128xi32, #tpu.memory_space<hbm>>) target(%arg6 : memref<81x128xi32, #tpu.memory_space<vmem>>) target_semaphore(%run_scoped3A_20 : memref<!tpu.dma_semaphore, #tpu.memory_space<semaphore_mem>>)
      %dma_wait3A = arith.constant 0 : i32
      %dma_wait3A_29 = arith.constant 0 : i32
      %dma_wait3A_30 = tpu.memref_slice %arg3[%run_scoped3A, %dma_wait3A, %arg0, %arg1, %dma_wait3A_29] : memref<2x81x2x16x128xi32, #tpu.memory_space<hbm>> -> memref<1x81x1x1x128xi32, #tpu.memory_space<hbm>>
      %dma_wait3A_31 = tpu.memref_squeeze %dma_wait3A_30 : memref<1x81x1x1x128xi32, #tpu.memory_space<hbm>> -> memref<81x128xi32, #tpu.memory_space<hbm>>
      %dma_wait3A_32 = arith.constant 0 : i32
      %dma_wait3A_33 = arith.constant 0 : i32
      %dma_wait3A_34 = tpu.memref_slice %arg3[%run_scoped3A, %dma_wait3A_32, %arg0, %arg1, %dma_wait3A_33] : memref<2x81x2x16x128xi32, #tpu.memory_space<hbm>> -> memref<1x81x1x1x128xi32, #tpu.memory_space<hbm>>
      %dma_wait3A_35 = tpu.memref_squeeze %dma_wait3A_34 : memref<1x81x1x1x128xi32, #tpu.memory_space<hbm>> -> memref<81x128xi32, #tpu.memory_space<hbm>>
      tpu.wait_dma2 semaphore(%run_scoped3A_20 : memref<!tpu.dma_semaphore, #tpu.memory_space<semaphore_mem>>) src(%dma_wait3A_35 : memref<81x128xi32, #tpu.memory_space<hbm>>) dst(%arg6 : memref<81x128xi32, #tpu.memory_space<vmem>>)
      tpu.yield
    }) : () -> ()
    %run_scoped3A_3 = arith.constant 1 : i32
    "tpu.region"() ({
      %run_scoped3A_20 = tpu.sem_alloc : memref<!tpu.dma_semaphore, #tpu.memory_space<semaphore_mem>>
      %dma_start3A_21 = arith.constant 0 : i32
      %dma_start3A_22 = arith.constant 0 : i32
      %dma_start3A_23 = tpu.memref_slice %arg3[%run_scoped3A_3, %dma_start3A_21, %arg0, %arg1, %dma_start3A_22] : memref<2x81x2x16x128xi32, #tpu.memory_space<hbm>> -> memref<1x81x1x1x128xi32, #tpu.memory_space<hbm>>
      %dma_start3A_24 = tpu.memref_squeeze %dma_start3A_23 : memref<1x81x1x1x128xi32, #tpu.memory_space<hbm>> -> memref<81x128xi32, #tpu.memory_space<hbm>>
      %dma_start3A_25 = arith.constant 0 : i32
      %dma_start3A_26 = arith.constant 0 : i32
      %dma_start3A_27 = tpu.memref_slice %arg3[%run_scoped3A_3, %dma_start3A_25, %arg0, %arg1, %dma_start3A_26] : memref<2x81x2x16x128xi32, #tpu.memory_space<hbm>> -> memref<1x81x1x1x128xi32, #tpu.memory_space<hbm>>
      %dma_start3A_28 = tpu.memref_squeeze %dma_start3A_27 : memref<1x81x1x1x128xi32, #tpu.memory_space<hbm>> -> memref<81x128xi32, #tpu.memory_space<hbm>>
      tpu.enqueue_dma source(%dma_start3A_28 : memref<81x128xi32, #tpu.memory_space<hbm>>) target(%arg7 : memref<81x128xi32, #tpu.memory_space<vmem>>) target_semaphore(%run_scoped3A_20 : memref<!tpu.dma_semaphore, #tpu.memory_space<semaphore_mem>>)
      %dma_wait3A = arith.constant 0 : i32
      %dma_wait3A_29 = arith.constant 0 : i32
      %dma_wait3A_30 = tpu.memref_slice %arg3[%run_scoped3A_3, %dma_wait3A, %arg0, %arg1, %dma_wait3A_29] : memref<2x81x2x16x128xi32, #tpu.memory_space<hbm>> -> memref<1x81x1x1x128xi32, #tpu.memory_space<hbm>>
      %dma_wait3A_31 = tpu.memref_squeeze %dma_wait3A_30 : memref<1x81x1x1x128xi32, #tpu.memory_space<hbm>> -> memref<81x128xi32, #tpu.memory_space<hbm>>
      %dma_wait3A_32 = arith.constant 0 : i32
      %dma_wait3A_33 = arith.constant 0 : i32
      %dma_wait3A_34 = tpu.memref_slice %arg3[%run_scoped3A_3, %dma_wait3A_32, %arg0, %arg1, %dma_wait3A_33] : memref<2x81x2x16x128xi32, #tpu.memory_space<hbm>> -> memref<1x81x1x1x128xi32, #tpu.memory_space<hbm>>
      %dma_wait3A_35 = tpu.memref_squeeze %dma_wait3A_34 : memref<1x81x1x1x128xi32, #tpu.memory_space<hbm>> -> memref<81x128xi32, #tpu.memory_space<hbm>>
      tpu.wait_dma2 semaphore(%run_scoped3A_20 : memref<!tpu.dma_semaphore, #tpu.memory_space<semaphore_mem>>) src(%dma_wait3A_35 : memref<81x128xi32, #tpu.memory_space<hbm>>) dst(%arg7 : memref<81x128xi32, #tpu.memory_space<vmem>>)
      tpu.yield
    }) : () -> ()
    %barrier3A = arith.constant 0 : index
    tpu.barrier barrier_id(%barrier3A)
    %dma_start3A = arith.constant 0 : i32
    %dma_start3A_4 = arith.constant 0 : i32
    %dma_start3A_5 = tpu.memref_slice %arg6[%dma_start3A, %dma_start3A_4] : memref<81x128xi32, #tpu.memory_space<vmem>> -> memref<1x128xi32, #tpu.memory_space<vmem>>
    %dma_start3A_6 = tpu.memref_squeeze %dma_start3A_5 : memref<1x128xi32, #tpu.memory_space<vmem>> -> memref<128xi32, #tpu.memory_space<vmem>>
    %dma_start3A_7 = arith.constant 0 : i32
    %dma_start3A_8 = arith.constant 0 : i32
    %dma_start3A_9 = tpu.memref_slice %arg2[%dma_start3A_7, %dma_start3A_8] : memref<10112x64xf32, #tpu.memory_space<hbm>> -> memref<10112x64xf32, #tpu.memory_space<hbm>>
    tpu.enqueue_indirect_dma source(%dma_start3A_9 : memref<10112x64xf32, #tpu.memory_space<hbm>>) target(%arg8 : memref<128x64xf32, #tpu.memory_space<vmem>>) offsets(%dma_start3A_6 : memref<128xi32, #tpu.memory_space<vmem>>) semaphore(%arg11 : memref<!tpu.dma_semaphore, #tpu.memory_space<semaphore_mem>>)
    %scan3A = arith.constant 0 : i32
    %scan3A_10 = arith.constant 0 : i32
    %scan3A_11 = arith.constant 41 : i32
    %scan3A_12 = arith.addi %scan3A_10, %scan3A_11 : i32
    %scan3A_13 = arith.constant 1 : i32
    scf.for %scan3A_20 = %scan3A_10 to %scan3A_12 step %scan3A_13  : i32 {
      %mul3A_21 = arith.constant 2 : i32
      %mul3A_22 = arith.muli %mul3A_21, %scan3A_20 : i32
      %add3A = arith.constant 1 : i32
      %add3A_23 = arith.addi %mul3A_22, %add3A : i32
      %lt3A = arith.constant 81 : i32
      %lt3A_24 = arith.cmpi slt, %add3A_23, %lt3A : i32
      %convert_element_type3A = arith.extui %lt3A_24 : i1 to i32
      %cond3A = arith.constant 0 : i32
      %cond3A_25 = arith.cmpi ne, %convert_element_type3A, %cond3A : i32
      scf.if %cond3A_25 {
        %add3A_45 = arith.constant 1 : i32
        %add3A_46 = arith.addi %mul3A_22, %add3A_45 : i32
        %dma_start3A_47 = arith.constant 0 : i32
        %dma_start3A_48 = tpu.memref_slice %arg6[%add3A_46, %dma_start3A_47] : memref<81x128xi32, #tpu.memory_space<vmem>> -> memref<1x128xi32, #tpu.memory_space<vmem>>
        %dma_start3A_49 = tpu.memref_squeeze %dma_start3A_48 : memref<1x128xi32, #tpu.memory_space<vmem>> -> memref<128xi32, #tpu.memory_space<vmem>>
        %dma_start3A_50 = arith.constant 0 : i32
        %dma_start3A_51 = arith.constant 0 : i32
        %dma_start3A_52 = tpu.memref_slice %arg2[%dma_start3A_50, %dma_start3A_51] : memref<10112x64xf32, #tpu.memory_space<hbm>> -> memref<10112x64xf32, #tpu.memory_space<hbm>>
        tpu.enqueue_indirect_dma source(%dma_start3A_52 : memref<10112x64xf32, #tpu.memory_space<hbm>>) target(%arg9 : memref<128x64xf32, #tpu.memory_space<vmem>>) offsets(%dma_start3A_49 : memref<128xi32, #tpu.memory_space<vmem>>) semaphore(%arg12 : memref<!tpu.dma_semaphore, #tpu.memory_space<semaphore_mem>>)
      } else {
      }
      %dma_wait3A = arith.constant 0 : i32
      %dma_wait3A_26 = tpu.memref_slice %arg6[%mul3A_22, %dma_wait3A] : memref<81x128xi32, #tpu.memory_space<vmem>> -> memref<1x128xi32, #tpu.memory_space<vmem>>
      %dma_wait3A_27 = tpu.memref_squeeze %dma_wait3A_26 : memref<1x128xi32, #tpu.memory_space<vmem>> -> memref<128xi32, #tpu.memory_space<vmem>>
      %dma_wait3A_28 = arith.constant 0 : i32
      %dma_wait3A_29 = arith.constant 0 : i32
      %dma_wait3A_30 = tpu.memref_slice %arg2[%dma_wait3A_28, %dma_wait3A_29] : memref<10112x64xf32, #tpu.memory_space<hbm>> -> memref<10112x64xf32, #tpu.memory_space<hbm>>
      tpu.wait_indirect_dma semaphore(%arg11 : memref<!tpu.dma_semaphore, #tpu.memory_space<semaphore_mem>>) src(%dma_wait3A_30 : memref<10112x64xf32, #tpu.memory_space<hbm>>) dst(%arg8 : memref<128x64xf32, #tpu.memory_space<vmem>>)
      "tpu.region"() ({
        %run_scoped3A_45 = tpu.sem_alloc : memref<!tpu.dma_semaphore, #tpu.memory_space<semaphore_mem>>
        %dma_start3A_46 = arith.constant 0 : i32
        %dma_start3A_47 = tpu.memref_slice %arg7[%mul3A_22, %dma_start3A_46] : memref<81x128xi32, #tpu.memory_space<vmem>> -> memref<1x128xi32, #tpu.memory_space<vmem>>
        %dma_start3A_48 = tpu.memref_squeeze %dma_start3A_47 : memref<1x128xi32, #tpu.memory_space<vmem>> -> memref<128xi32, #tpu.memory_space<vmem>>
        %dma_start3A_49 = arith.constant 0 : i32
        %dma_start3A_50 = arith.constant 0 : i32
        %dma_start3A_51 = tpu.memref_slice %arg10[%dma_start3A_49, %dma_start3A_50] : memref<10112x64xf32, #tpu.memory_space<vmem_shared>> -> memref<10112x64xf32, #tpu.memory_space<vmem_shared>>
        tpu.enqueue_indirect_dma source(%arg8 : memref<128x64xf32, #tpu.memory_space<vmem>>) target(%dma_start3A_51 : memref<10112x64xf32, #tpu.memory_space<vmem_shared>>) offsets(%dma_start3A_48 : memref<128xi32, #tpu.memory_space<vmem>>) semaphore(%run_scoped3A_45 : memref<!tpu.dma_semaphore, #tpu.memory_space<semaphore_mem>>) {add = true}
        %dma_wait3A_52 = arith.constant 0 : i32
        %dma_wait3A_53 = tpu.memref_slice %arg7[%mul3A_22, %dma_wait3A_52] : memref<81x128xi32, #tpu.memory_space<vmem>> -> memref<1x128xi32, #tpu.memory_space<vmem>>
        %dma_wait3A_54 = tpu.memref_squeeze %dma_wait3A_53 : memref<1x128xi32, #tpu.memory_space<vmem>> -> memref<128xi32, #tpu.memory_space<vmem>>
        %dma_wait3A_55 = arith.constant 0 : i32
        %dma_wait3A_56 = arith.constant 0 : i32
        %dma_wait3A_57 = tpu.memref_slice %arg10[%dma_wait3A_55, %dma_wait3A_56] : memref<10112x64xf32, #tpu.memory_space<vmem_shared>> -> memref<10112x64xf32, #tpu.memory_space<vmem_shared>>
        tpu.wait_indirect_dma semaphore(%run_scoped3A_45 : memref<!tpu.dma_semaphore, #tpu.memory_space<semaphore_mem>>) src(%arg8 : memref<128x64xf32, #tpu.memory_space<vmem>>) dst(%dma_wait3A_57 : memref<10112x64xf32, #tpu.memory_space<vmem_shared>>)
        tpu.yield
      }) : () -> ()
      %add3A_31 = arith.constant 2 : i32
      %add3A_32 = arith.addi %mul3A_22, %add3A_31 : i32
      %lt3A_33 = arith.constant 81 : i32
      %lt3A_34 = arith.cmpi slt, %add3A_32, %lt3A_33 : i32
      %convert_element_type3A_35 = arith.extui %lt3A_34 : i1 to i32
      %cond3A_36 = arith.constant 0 : i32
      %cond3A_37 = arith.cmpi ne, %convert_element_type3A_35, %cond3A_36 : i32
      scf.if %cond3A_37 {
        %add3A_45 = arith.constant 2 : i32
        %add3A_46 = arith.addi %mul3A_22, %add3A_45 : i32
        %dma_start3A_47 = arith.constant 0 : i32
        %dma_start3A_48 = tpu.memref_slice %arg6[%add3A_46, %dma_start3A_47] : memref<81x128xi32, #tpu.memory_space<vmem>> -> memref<1x128xi32, #tpu.memory_space<vmem>>
        %dma_start3A_49 = tpu.memref_squeeze %dma_start3A_48 : memref<1x128xi32, #tpu.memory_space<vmem>> -> memref<128xi32, #tpu.memory_space<vmem>>
        %dma_start3A_50 = arith.constant 0 : i32
        %dma_start3A_51 = arith.constant 0 : i32
        %dma_start3A_52 = tpu.memref_slice %arg2[%dma_start3A_50, %dma_start3A_51] : memref<10112x64xf32, #tpu.memory_space<hbm>> -> memref<10112x64xf32, #tpu.memory_space<hbm>>
        tpu.enqueue_indirect_dma source(%dma_start3A_52 : memref<10112x64xf32, #tpu.memory_space<hbm>>) target(%arg8 : memref<128x64xf32, #tpu.memory_space<vmem>>) offsets(%dma_start3A_49 : memref<128xi32, #tpu.memory_space<vmem>>) semaphore(%arg11 : memref<!tpu.dma_semaphore, #tpu.memory_space<semaphore_mem>>)
      } else {
      }
      %add3A_38 = arith.constant 1 : i32
      %add3A_39 = arith.addi %mul3A_22, %add3A_38 : i32
      %lt3A_40 = arith.constant 81 : i32
      %lt3A_41 = arith.cmpi slt, %add3A_39, %lt3A_40 : i32
      %convert_element_type3A_42 = arith.extui %lt3A_41 : i1 to i32
      %cond3A_43 = arith.constant 0 : i32
      %cond3A_44 = arith.cmpi ne, %convert_element_type3A_42, %cond3A_43 : i32
      scf.if %cond3A_44 {
        %add3A_45 = arith.constant 1 : i32
        %add3A_46 = arith.addi %mul3A_22, %add3A_45 : i32
        %dma_wait3A_47 = arith.constant 0 : i32
        %dma_wait3A_48 = tpu.memref_slice %arg6[%add3A_46, %dma_wait3A_47] : memref<81x128xi32, #tpu.memory_space<vmem>> -> memref<1x128xi32, #tpu.memory_space<vmem>>
        %dma_wait3A_49 = tpu.memref_squeeze %dma_wait3A_48 : memref<1x128xi32, #tpu.memory_space<vmem>> -> memref<128xi32, #tpu.memory_space<vmem>>
        %dma_wait3A_50 = arith.constant 0 : i32
        %dma_wait3A_51 = arith.constant 0 : i32
        %dma_wait3A_52 = tpu.memref_slice %arg2[%dma_wait3A_50, %dma_wait3A_51] : memref<10112x64xf32, #tpu.memory_space<hbm>> -> memref<10112x64xf32, #tpu.memory_space<hbm>>
        tpu.wait_indirect_dma semaphore(%arg12 : memref<!tpu.dma_semaphore, #tpu.memory_space<semaphore_mem>>) src(%dma_wait3A_52 : memref<10112x64xf32, #tpu.memory_space<hbm>>) dst(%arg9 : memref<128x64xf32, #tpu.memory_space<vmem>>)
        %add3A_53 = arith.constant 1 : i32
        %add3A_54 = arith.addi %mul3A_22, %add3A_53 : i32
        "tpu.region"() ({
          %run_scoped3A_55 = tpu.sem_alloc : memref<!tpu.dma_semaphore, #tpu.memory_space<semaphore_mem>>
          %dma_start3A_56 = arith.constant 0 : i32
          %dma_start3A_57 = tpu.memref_slice %arg7[%add3A_54, %dma_start3A_56] : memref<81x128xi32, #tpu.memory_space<vmem>> -> memref<1x128xi32, #tpu.memory_space<vmem>>
          %dma_start3A_58 = tpu.memref_squeeze %dma_start3A_57 : memref<1x128xi32, #tpu.memory_space<vmem>> -> memref<128xi32, #tpu.memory_space<vmem>>
          %dma_start3A_59 = arith.constant 0 : i32
          %dma_start3A_60 = arith.constant 0 : i32
          %dma_start3A_61 = tpu.memref_slice %arg10[%dma_start3A_59, %dma_start3A_60] : memref<10112x64xf32, #tpu.memory_space<vmem_shared>> -> memref<10112x64xf32, #tpu.memory_space<vmem_shared>>
          tpu.enqueue_indirect_dma source(%arg9 : memref<128x64xf32, #tpu.memory_space<vmem>>) target(%dma_start3A_61 : memref<10112x64xf32, #tpu.memory_space<vmem_shared>>) offsets(%dma_start3A_58 : memref<128xi32, #tpu.memory_space<vmem>>) semaphore(%run_scoped3A_55 : memref<!tpu.dma_semaphore, #tpu.memory_space<semaphore_mem>>) {add = true}
          %dma_wait3A_62 = arith.constant 0 : i32
          %dma_wait3A_63 = tpu.memref_slice %arg7[%add3A_54, %dma_wait3A_62] : memref<81x128xi32, #tpu.memory_space<vmem>> -> memref<1x128xi32, #tpu.memory_space<vmem>>
          %dma_wait3A_64 = tpu.memref_squeeze %dma_wait3A_63 : memref<1x128xi32, #tpu.memory_space<vmem>> -> memref<128xi32, #tpu.memory_space<vmem>>
          %dma_wait3A_65 = arith.constant 0 : i32
          %dma_wait3A_66 = arith.constant 0 : i32
          %dma_wait3A_67 = tpu.memref_slice %arg10[%dma_wait3A_65, %dma_wait3A_66] : memref<10112x64xf32, #tpu.memory_space<vmem_shared>> -> memref<10112x64xf32, #tpu.memory_space<vmem_shared>>
          tpu.wait_indirect_dma semaphore(%run_scoped3A_55 : memref<!tpu.dma_semaphore, #tpu.memory_space<semaphore_mem>>) src(%arg9 : memref<128x64xf32, #tpu.memory_space<vmem>>) dst(%dma_wait3A_67 : memref<10112x64xf32, #tpu.memory_space<vmem_shared>>)
          tpu.yield
        }) : () -> ()
      } else {
      }
    }
    %scan3A_14 = arith.constant 41 : i32
    %barrier3A_15 = arith.constant 0 : index
    tpu.barrier barrier_id(%barrier3A_15)
    %mul3A_16 = arith.constant 632 : i32
    %mul3A_17 = arith.muli %arg1, %mul3A_16 : i32
    %mul3A_18 = arith.constant 632 : i32
    %mul3A_19 = arith.muli %arg1, %mul3A_18 : i32
    "tpu.region"() ({
      %run_scoped3A_20 = tpu.sem_alloc : memref<!tpu.dma_semaphore, #tpu.memory_space<semaphore_mem>>
      %dma_start3A_21 = arith.constant 0 : i32
      %dma_start3A_22 = arith.constant 0 : i32
      %dma_start3A_23 = tpu.memref_slice %arg5[%arg0, %dma_start3A_21, %dma_start3A_22] : memref<2x10112x64xf32, #tpu.memory_space<hbm>> -> memref<1x10112x64xf32, #tpu.memory_space<hbm>>
      %dma_start3A_24 = tpu.memref_squeeze %dma_start3A_23 : memref<1x10112x64xf32, #tpu.memory_space<hbm>> -> memref<10112x64xf32, #tpu.memory_space<hbm>>
      %dma_start3A_25 = arith.constant 0 : i32
      %dma_start3A_26 = tpu.memref_slice %dma_start3A_24[%mul3A_19, %dma_start3A_25] : memref<10112x64xf32, #tpu.memory_space<hbm>> -> memref<632x64xf32, #tpu.memory_space<hbm>>
      %dma_start3A_27 = arith.constant 0 : i32
      %dma_start3A_28 = tpu.memref_slice %arg10[%mul3A_17, %dma_start3A_27] : memref<10112x64xf32, #tpu.memory_space<vmem_shared>> -> memref<632x64xf32, #tpu.memory_space<vmem_shared>>
      tpu.enqueue_dma source(%dma_start3A_28 : memref<632x64xf32, #tpu.memory_space<vmem_shared>>) target(%dma_start3A_26 : memref<632x64xf32, #tpu.memory_space<hbm>>) target_semaphore(%run_scoped3A_20 : memref<!tpu.dma_semaphore, #tpu.memory_space<semaphore_mem>>)
      %dma_wait3A = arith.constant 0 : i32
      %dma_wait3A_29 = arith.constant 0 : i32
      %dma_wait3A_30 = tpu.memref_slice %arg5[%arg0, %dma_wait3A, %dma_wait3A_29] : memref<2x10112x64xf32, #tpu.memory_space<hbm>> -> memref<1x10112x64xf32, #tpu.memory_space<hbm>>
      %dma_wait3A_31 = tpu.memref_squeeze %dma_wait3A_30 : memref<1x10112x64xf32, #tpu.memory_space<hbm>> -> memref<10112x64xf32, #tpu.memory_space<hbm>>
      %dma_wait3A_32 = arith.constant 0 : i32
      %dma_wait3A_33 = tpu.memref_slice %dma_wait3A_31[%mul3A_19, %dma_wait3A_32] : memref<10112x64xf32, #tpu.memory_space<hbm>> -> memref<632x64xf32, #tpu.memory_space<hbm>>
      %dma_wait3A_34 = arith.constant 0 : i32
      %dma_wait3A_35 = tpu.memref_slice %arg10[%mul3A_17, %dma_wait3A_34] : memref<10112x64xf32, #tpu.memory_space<vmem_shared>> -> memref<632x64xf32, #tpu.memory_space<vmem_shared>>
      tpu.wait_dma2 semaphore(%run_scoped3A_20 : memref<!tpu.dma_semaphore, #tpu.memory_space<semaphore_mem>>) src(%dma_wait3A_35 : memref<632x64xf32, #tpu.memory_space<vmem_shared>>) dst(%dma_wait3A_33 : memref<632x64xf32, #tpu.memory_space<hbm>>)
      tpu.yield
    }) : () -> ()
    return
  }
}

#map = affine_map<(d0, d1) -> (0, 0, 0, 0, 0)>
#map1 = affine_map<(d0, d1) -> (0, 0)>
#map2 = affine_map<(d0, d1) -> (0, 0, 0)>
module attributes {stable_mosaic.version = 14 : i64} {
  func.func @deg_kernel(%arg0: i32, %arg1: i32, %arg2: memref<2x81x2x16x128xi32, #tpu.memory_space<hbm>>, %arg3: memref<128x8xf32, #tpu.memory_space<hbm>>, %arg4: memref<10112x8xf32, #tpu.memory_space<hbm>>, %arg5: memref<2x10112x8xf32, #tpu.memory_space<hbm>>, %arg6: memref<81x128xi32, #tpu.memory_space<vmem>>, %arg7: memref<128x8xf32, #tpu.memory_space<vmem>>, %arg8: memref<10112x8xf32, #tpu.memory_space<vmem_shared>>) attributes {dimension_semantics = [#tpu.dimension_semantics<core_parallel>, #tpu.dimension_semantics<subcore_parallel>], iteration_bounds = array<i64: 2, 16>, scalar_prefetch = 0 : i64, scratch_operands = 3 : i64, tpu.core_type = #tpu.core_type<sc_vector_subcore>, window_params = [{transform_indices = #map}, {transform_indices = #map1}, {transform_indices = #map1}, {transform_indices = #map2}]} {
    %mul3A = arith.constant 632 : i32
    %mul3A_0 = arith.muli %arg1, %mul3A : i32
    %mul3A_1 = arith.constant 632 : i32
    %mul3A_2 = arith.muli %arg1, %mul3A_1 : i32
    "tpu.region"() ({
      %run_scoped3A_13 = tpu.sem_alloc : memref<!tpu.dma_semaphore, #tpu.memory_space<semaphore_mem>>
      %dma_start3A = arith.constant 0 : i32
      %dma_start3A_14 = tpu.memref_slice %arg8[%mul3A_2, %dma_start3A] : memref<10112x8xf32, #tpu.memory_space<vmem_shared>> -> memref<632x8xf32, #tpu.memory_space<vmem_shared>>
      %dma_start3A_15 = arith.constant 0 : i32
      %dma_start3A_16 = tpu.memref_slice %arg4[%mul3A_0, %dma_start3A_15] : memref<10112x8xf32, #tpu.memory_space<hbm>> -> memref<632x8xf32, #tpu.memory_space<hbm>>
      tpu.enqueue_dma source(%dma_start3A_16 : memref<632x8xf32, #tpu.memory_space<hbm>>) target(%dma_start3A_14 : memref<632x8xf32, #tpu.memory_space<vmem_shared>>) target_semaphore(%run_scoped3A_13 : memref<!tpu.dma_semaphore, #tpu.memory_space<semaphore_mem>>)
      %dma_wait3A = arith.constant 0 : i32
      %dma_wait3A_17 = tpu.memref_slice %arg8[%mul3A_2, %dma_wait3A] : memref<10112x8xf32, #tpu.memory_space<vmem_shared>> -> memref<632x8xf32, #tpu.memory_space<vmem_shared>>
      %dma_wait3A_18 = arith.constant 0 : i32
      %dma_wait3A_19 = tpu.memref_slice %arg4[%mul3A_0, %dma_wait3A_18] : memref<10112x8xf32, #tpu.memory_space<hbm>> -> memref<632x8xf32, #tpu.memory_space<hbm>>
      tpu.wait_dma2 semaphore(%run_scoped3A_13 : memref<!tpu.dma_semaphore, #tpu.memory_space<semaphore_mem>>) src(%dma_wait3A_19 : memref<632x8xf32, #tpu.memory_space<hbm>>) dst(%dma_wait3A_17 : memref<632x8xf32, #tpu.memory_space<vmem_shared>>)
      tpu.yield
    }) : () -> ()
    %run_scoped3A = arith.constant 1 : i32
    "tpu.region"() ({
      %run_scoped3A_13 = tpu.sem_alloc : memref<!tpu.dma_semaphore, #tpu.memory_space<semaphore_mem>>
      %dma_start3A = arith.constant 0 : i32
      %dma_start3A_14 = arith.constant 0 : i32
      %dma_start3A_15 = tpu.memref_slice %arg2[%run_scoped3A, %dma_start3A, %arg0, %arg1, %dma_start3A_14] : memref<2x81x2x16x128xi32, #tpu.memory_space<hbm>> -> memref<1x81x1x1x128xi32, #tpu.memory_space<hbm>>
      %dma_start3A_16 = tpu.memref_squeeze %dma_start3A_15 : memref<1x81x1x1x128xi32, #tpu.memory_space<hbm>> -> memref<81x128xi32, #tpu.memory_space<hbm>>
      %dma_start3A_17 = arith.constant 0 : i32
      %dma_start3A_18 = arith.constant 0 : i32
      %dma_start3A_19 = tpu.memref_slice %arg2[%run_scoped3A, %dma_start3A_17, %arg0, %arg1, %dma_start3A_18] : memref<2x81x2x16x128xi32, #tpu.memory_space<hbm>> -> memref<1x81x1x1x128xi32, #tpu.memory_space<hbm>>
      %dma_start3A_20 = tpu.memref_squeeze %dma_start3A_19 : memref<1x81x1x1x128xi32, #tpu.memory_space<hbm>> -> memref<81x128xi32, #tpu.memory_space<hbm>>
      tpu.enqueue_dma source(%dma_start3A_20 : memref<81x128xi32, #tpu.memory_space<hbm>>) target(%arg6 : memref<81x128xi32, #tpu.memory_space<vmem>>) target_semaphore(%run_scoped3A_13 : memref<!tpu.dma_semaphore, #tpu.memory_space<semaphore_mem>>)
      %dma_wait3A = arith.constant 0 : i32
      %dma_wait3A_21 = arith.constant 0 : i32
      %dma_wait3A_22 = tpu.memref_slice %arg2[%run_scoped3A, %dma_wait3A, %arg0, %arg1, %dma_wait3A_21] : memref<2x81x2x16x128xi32, #tpu.memory_space<hbm>> -> memref<1x81x1x1x128xi32, #tpu.memory_space<hbm>>
      %dma_wait3A_23 = tpu.memref_squeeze %dma_wait3A_22 : memref<1x81x1x1x128xi32, #tpu.memory_space<hbm>> -> memref<81x128xi32, #tpu.memory_space<hbm>>
      %dma_wait3A_24 = arith.constant 0 : i32
      %dma_wait3A_25 = arith.constant 0 : i32
      %dma_wait3A_26 = tpu.memref_slice %arg2[%run_scoped3A, %dma_wait3A_24, %arg0, %arg1, %dma_wait3A_25] : memref<2x81x2x16x128xi32, #tpu.memory_space<hbm>> -> memref<1x81x1x1x128xi32, #tpu.memory_space<hbm>>
      %dma_wait3A_27 = tpu.memref_squeeze %dma_wait3A_26 : memref<1x81x1x1x128xi32, #tpu.memory_space<hbm>> -> memref<81x128xi32, #tpu.memory_space<hbm>>
      tpu.wait_dma2 semaphore(%run_scoped3A_13 : memref<!tpu.dma_semaphore, #tpu.memory_space<semaphore_mem>>) src(%dma_wait3A_27 : memref<81x128xi32, #tpu.memory_space<hbm>>) dst(%arg6 : memref<81x128xi32, #tpu.memory_space<vmem>>)
      tpu.yield
    }) : () -> ()
    "tpu.region"() ({
      %run_scoped3A_13 = tpu.sem_alloc : memref<!tpu.dma_semaphore, #tpu.memory_space<semaphore_mem>>
      tpu.enqueue_dma source(%arg3 : memref<128x8xf32, #tpu.memory_space<hbm>>) target(%arg7 : memref<128x8xf32, #tpu.memory_space<vmem>>) target_semaphore(%run_scoped3A_13 : memref<!tpu.dma_semaphore, #tpu.memory_space<semaphore_mem>>)
      tpu.wait_dma2 semaphore(%run_scoped3A_13 : memref<!tpu.dma_semaphore, #tpu.memory_space<semaphore_mem>>) src(%arg3 : memref<128x8xf32, #tpu.memory_space<hbm>>) dst(%arg7 : memref<128x8xf32, #tpu.memory_space<vmem>>)
      tpu.yield
    }) : () -> ()
    %barrier3A = arith.constant 0 : index
    tpu.barrier barrier_id(%barrier3A)
    %scan3A = arith.constant 0 : i32
    %scan3A_3 = arith.constant 0 : i32
    %scan3A_4 = arith.constant 81 : i32
    %scan3A_5 = arith.addi %scan3A_3, %scan3A_4 : i32
    %scan3A_6 = arith.constant 1 : i32
    scf.for %scan3A_13 = %scan3A_3 to %scan3A_5 step %scan3A_6  : i32 {
      "tpu.region"() ({
        %run_scoped3A_14 = tpu.sem_alloc : memref<!tpu.dma_semaphore, #tpu.memory_space<semaphore_mem>>
        %dma_start3A = arith.constant 0 : i32
        %dma_start3A_15 = tpu.memref_slice %arg6[%scan3A_13, %dma_start3A] : memref<81x128xi32, #tpu.memory_space<vmem>> -> memref<1x128xi32, #tpu.memory_space<vmem>>
        %dma_start3A_16 = tpu.memref_squeeze %dma_start3A_15 : memref<1x128xi32, #tpu.memory_space<vmem>> -> memref<128xi32, #tpu.memory_space<vmem>>
        %dma_start3A_17 = arith.constant 0 : i32
        %dma_start3A_18 = arith.constant 0 : i32
        %dma_start3A_19 = tpu.memref_slice %arg8[%dma_start3A_17, %dma_start3A_18] : memref<10112x8xf32, #tpu.memory_space<vmem_shared>> -> memref<10112x8xf32, #tpu.memory_space<vmem_shared>>
        tpu.enqueue_indirect_dma source(%arg7 : memref<128x8xf32, #tpu.memory_space<vmem>>) target(%dma_start3A_19 : memref<10112x8xf32, #tpu.memory_space<vmem_shared>>) offsets(%dma_start3A_16 : memref<128xi32, #tpu.memory_space<vmem>>) semaphore(%run_scoped3A_14 : memref<!tpu.dma_semaphore, #tpu.memory_space<semaphore_mem>>) {add = true}
        %dma_wait3A = arith.constant 0 : i32
        %dma_wait3A_20 = tpu.memref_slice %arg6[%scan3A_13, %dma_wait3A] : memref<81x128xi32, #tpu.memory_space<vmem>> -> memref<1x128xi32, #tpu.memory_space<vmem>>
        %dma_wait3A_21 = tpu.memref_squeeze %dma_wait3A_20 : memref<1x128xi32, #tpu.memory_space<vmem>> -> memref<128xi32, #tpu.memory_space<vmem>>
        %dma_wait3A_22 = arith.constant 0 : i32
        %dma_wait3A_23 = arith.constant 0 : i32
        %dma_wait3A_24 = tpu.memref_slice %arg8[%dma_wait3A_22, %dma_wait3A_23] : memref<10112x8xf32, #tpu.memory_space<vmem_shared>> -> memref<10112x8xf32, #tpu.memory_space<vmem_shared>>
        tpu.wait_indirect_dma semaphore(%run_scoped3A_14 : memref<!tpu.dma_semaphore, #tpu.memory_space<semaphore_mem>>) src(%arg7 : memref<128x8xf32, #tpu.memory_space<vmem>>) dst(%dma_wait3A_24 : memref<10112x8xf32, #tpu.memory_space<vmem_shared>>)
        tpu.yield
      }) : () -> ()
    }
    %scan3A_7 = arith.constant 81 : i32
    %barrier3A_8 = arith.constant 0 : index
    tpu.barrier barrier_id(%barrier3A_8)
    %mul3A_9 = arith.constant 632 : i32
    %mul3A_10 = arith.muli %arg1, %mul3A_9 : i32
    %mul3A_11 = arith.constant 632 : i32
    %mul3A_12 = arith.muli %arg1, %mul3A_11 : i32
    "tpu.region"() ({
      %run_scoped3A_13 = tpu.sem_alloc : memref<!tpu.dma_semaphore, #tpu.memory_space<semaphore_mem>>
      %dma_start3A = arith.constant 0 : i32
      %dma_start3A_14 = arith.constant 0 : i32
      %dma_start3A_15 = tpu.memref_slice %arg5[%arg0, %dma_start3A, %dma_start3A_14] : memref<2x10112x8xf32, #tpu.memory_space<hbm>> -> memref<1x10112x8xf32, #tpu.memory_space<hbm>>
      %dma_start3A_16 = tpu.memref_squeeze %dma_start3A_15 : memref<1x10112x8xf32, #tpu.memory_space<hbm>> -> memref<10112x8xf32, #tpu.memory_space<hbm>>
      %dma_start3A_17 = arith.constant 0 : i32
      %dma_start3A_18 = tpu.memref_slice %dma_start3A_16[%mul3A_12, %dma_start3A_17] : memref<10112x8xf32, #tpu.memory_space<hbm>> -> memref<632x8xf32, #tpu.memory_space<hbm>>
      %dma_start3A_19 = arith.constant 0 : i32
      %dma_start3A_20 = tpu.memref_slice %arg8[%mul3A_10, %dma_start3A_19] : memref<10112x8xf32, #tpu.memory_space<vmem_shared>> -> memref<632x8xf32, #tpu.memory_space<vmem_shared>>
      tpu.enqueue_dma source(%dma_start3A_20 : memref<632x8xf32, #tpu.memory_space<vmem_shared>>) target(%dma_start3A_18 : memref<632x8xf32, #tpu.memory_space<hbm>>) target_semaphore(%run_scoped3A_13 : memref<!tpu.dma_semaphore, #tpu.memory_space<semaphore_mem>>)
      %dma_wait3A = arith.constant 0 : i32
      %dma_wait3A_21 = arith.constant 0 : i32
      %dma_wait3A_22 = tpu.memref_slice %arg5[%arg0, %dma_wait3A, %dma_wait3A_21] : memref<2x10112x8xf32, #tpu.memory_space<hbm>> -> memref<1x10112x8xf32, #tpu.memory_space<hbm>>
      %dma_wait3A_23 = tpu.memref_squeeze %dma_wait3A_22 : memref<1x10112x8xf32, #tpu.memory_space<hbm>> -> memref<10112x8xf32, #tpu.memory_space<hbm>>
      %dma_wait3A_24 = arith.constant 0 : i32
      %dma_wait3A_25 = tpu.memref_slice %dma_wait3A_23[%mul3A_12, %dma_wait3A_24] : memref<10112x8xf32, #tpu.memory_space<hbm>> -> memref<632x8xf32, #tpu.memory_space<hbm>>
      %dma_wait3A_26 = arith.constant 0 : i32
      %dma_wait3A_27 = tpu.memref_slice %arg8[%mul3A_10, %dma_wait3A_26] : memref<10112x8xf32, #tpu.memory_space<vmem_shared>> -> memref<632x8xf32, #tpu.memory_space<vmem_shared>>
      tpu.wait_dma2 semaphore(%run_scoped3A_13 : memref<!tpu.dma_semaphore, #tpu.memory_space<semaphore_mem>>) src(%dma_wait3A_27 : memref<632x8xf32, #tpu.memory_space<vmem_shared>>) dst(%dma_wait3A_25 : memref<632x8xf32, #tpu.memory_space<hbm>>)
      tpu.yield
    }) : () -> ()
    return
  }
}

#map = affine_map<(d0, d1) -> (0, 0)>
#map1 = affine_map<(d0, d1) -> (0, 0, 0, 0, 0)>
#map2 = affine_map<(d0, d1) -> (0, 0, 0)>
module attributes {stable_mosaic.version = 14 : i64} {
  func.func @prop_kernel(%arg0: i32, %arg1: i32, %arg2: memref<10112x32xf32, #tpu.memory_space<hbm>>, %arg3: memref<2x81x2x16x128xi32, #tpu.memory_space<hbm>>, %arg4: memref<10112x32xf32, #tpu.memory_space<hbm>>, %arg5: memref<2x10112x32xf32, #tpu.memory_space<hbm>>, %arg6: memref<81x128xi32, #tpu.memory_space<vmem>>, %arg7: memref<81x128xi32, #tpu.memory_space<vmem>>, %arg8: memref<128x32xf32, #tpu.memory_space<vmem>>, %arg9: memref<128x32xf32, #tpu.memory_space<vmem>>, %arg10: memref<10112x32xf32, #tpu.memory_space<vmem_shared>>, %arg11: memref<!tpu.dma_semaphore, #tpu.memory_space<semaphore_mem>>, %arg12: memref<!tpu.dma_semaphore, #tpu.memory_space<semaphore_mem>>) attributes {dimension_semantics = [#tpu.dimension_semantics<core_parallel>, #tpu.dimension_semantics<subcore_parallel>], iteration_bounds = array<i64: 2, 16>, scalar_prefetch = 0 : i64, scratch_operands = 7 : i64, tpu.core_type = #tpu.core_type<sc_vector_subcore>, window_params = [{transform_indices = #map}, {transform_indices = #map1}, {transform_indices = #map}, {transform_indices = #map2}]} {
    %mul3A = arith.constant 632 : i32
    %mul3A_0 = arith.muli %arg1, %mul3A : i32
    %mul3A_1 = arith.constant 632 : i32
    %mul3A_2 = arith.muli %arg1, %mul3A_1 : i32
    "tpu.region"() ({
      %run_scoped3A_20 = tpu.sem_alloc : memref<!tpu.dma_semaphore, #tpu.memory_space<semaphore_mem>>
      %dma_start3A_21 = arith.constant 0 : i32
      %dma_start3A_22 = tpu.memref_slice %arg10[%mul3A_2, %dma_start3A_21] : memref<10112x32xf32, #tpu.memory_space<vmem_shared>> -> memref<632x32xf32, #tpu.memory_space<vmem_shared>>
      %dma_start3A_23 = arith.constant 0 : i32
      %dma_start3A_24 = tpu.memref_slice %arg4[%mul3A_0, %dma_start3A_23] : memref<10112x32xf32, #tpu.memory_space<hbm>> -> memref<632x32xf32, #tpu.memory_space<hbm>>
      tpu.enqueue_dma source(%dma_start3A_24 : memref<632x32xf32, #tpu.memory_space<hbm>>) target(%dma_start3A_22 : memref<632x32xf32, #tpu.memory_space<vmem_shared>>) target_semaphore(%run_scoped3A_20 : memref<!tpu.dma_semaphore, #tpu.memory_space<semaphore_mem>>)
      %dma_wait3A = arith.constant 0 : i32
      %dma_wait3A_25 = tpu.memref_slice %arg10[%mul3A_2, %dma_wait3A] : memref<10112x32xf32, #tpu.memory_space<vmem_shared>> -> memref<632x32xf32, #tpu.memory_space<vmem_shared>>
      %dma_wait3A_26 = arith.constant 0 : i32
      %dma_wait3A_27 = tpu.memref_slice %arg4[%mul3A_0, %dma_wait3A_26] : memref<10112x32xf32, #tpu.memory_space<hbm>> -> memref<632x32xf32, #tpu.memory_space<hbm>>
      tpu.wait_dma2 semaphore(%run_scoped3A_20 : memref<!tpu.dma_semaphore, #tpu.memory_space<semaphore_mem>>) src(%dma_wait3A_27 : memref<632x32xf32, #tpu.memory_space<hbm>>) dst(%dma_wait3A_25 : memref<632x32xf32, #tpu.memory_space<vmem_shared>>)
      tpu.yield
    }) : () -> ()
    %run_scoped3A = arith.constant 0 : i32
    "tpu.region"() ({
      %run_scoped3A_20 = tpu.sem_alloc : memref<!tpu.dma_semaphore, #tpu.memory_space<semaphore_mem>>
      %dma_start3A_21 = arith.constant 0 : i32
      %dma_start3A_22 = arith.constant 0 : i32
      %dma_start3A_23 = tpu.memref_slice %arg3[%run_scoped3A, %dma_start3A_21, %arg0, %arg1, %dma_start3A_22] : memref<2x81x2x16x128xi32, #tpu.memory_space<hbm>> -> memref<1x81x1x1x128xi32, #tpu.memory_space<hbm>>
      %dma_start3A_24 = tpu.memref_squeeze %dma_start3A_23 : memref<1x81x1x1x128xi32, #tpu.memory_space<hbm>> -> memref<81x128xi32, #tpu.memory_space<hbm>>
      %dma_start3A_25 = arith.constant 0 : i32
      %dma_start3A_26 = arith.constant 0 : i32
      %dma_start3A_27 = tpu.memref_slice %arg3[%run_scoped3A, %dma_start3A_25, %arg0, %arg1, %dma_start3A_26] : memref<2x81x2x16x128xi32, #tpu.memory_space<hbm>> -> memref<1x81x1x1x128xi32, #tpu.memory_space<hbm>>
      %dma_start3A_28 = tpu.memref_squeeze %dma_start3A_27 : memref<1x81x1x1x128xi32, #tpu.memory_space<hbm>> -> memref<81x128xi32, #tpu.memory_space<hbm>>
      tpu.enqueue_dma source(%dma_start3A_28 : memref<81x128xi32, #tpu.memory_space<hbm>>) target(%arg6 : memref<81x128xi32, #tpu.memory_space<vmem>>) target_semaphore(%run_scoped3A_20 : memref<!tpu.dma_semaphore, #tpu.memory_space<semaphore_mem>>)
      %dma_wait3A = arith.constant 0 : i32
      %dma_wait3A_29 = arith.constant 0 : i32
      %dma_wait3A_30 = tpu.memref_slice %arg3[%run_scoped3A, %dma_wait3A, %arg0, %arg1, %dma_wait3A_29] : memref<2x81x2x16x128xi32, #tpu.memory_space<hbm>> -> memref<1x81x1x1x128xi32, #tpu.memory_space<hbm>>
      %dma_wait3A_31 = tpu.memref_squeeze %dma_wait3A_30 : memref<1x81x1x1x128xi32, #tpu.memory_space<hbm>> -> memref<81x128xi32, #tpu.memory_space<hbm>>
      %dma_wait3A_32 = arith.constant 0 : i32
      %dma_wait3A_33 = arith.constant 0 : i32
      %dma_wait3A_34 = tpu.memref_slice %arg3[%run_scoped3A, %dma_wait3A_32, %arg0, %arg1, %dma_wait3A_33] : memref<2x81x2x16x128xi32, #tpu.memory_space<hbm>> -> memref<1x81x1x1x128xi32, #tpu.memory_space<hbm>>
      %dma_wait3A_35 = tpu.memref_squeeze %dma_wait3A_34 : memref<1x81x1x1x128xi32, #tpu.memory_space<hbm>> -> memref<81x128xi32, #tpu.memory_space<hbm>>
      tpu.wait_dma2 semaphore(%run_scoped3A_20 : memref<!tpu.dma_semaphore, #tpu.memory_space<semaphore_mem>>) src(%dma_wait3A_35 : memref<81x128xi32, #tpu.memory_space<hbm>>) dst(%arg6 : memref<81x128xi32, #tpu.memory_space<vmem>>)
      tpu.yield
    }) : () -> ()
    %run_scoped3A_3 = arith.constant 1 : i32
    "tpu.region"() ({
      %run_scoped3A_20 = tpu.sem_alloc : memref<!tpu.dma_semaphore, #tpu.memory_space<semaphore_mem>>
      %dma_start3A_21 = arith.constant 0 : i32
      %dma_start3A_22 = arith.constant 0 : i32
      %dma_start3A_23 = tpu.memref_slice %arg3[%run_scoped3A_3, %dma_start3A_21, %arg0, %arg1, %dma_start3A_22] : memref<2x81x2x16x128xi32, #tpu.memory_space<hbm>> -> memref<1x81x1x1x128xi32, #tpu.memory_space<hbm>>
      %dma_start3A_24 = tpu.memref_squeeze %dma_start3A_23 : memref<1x81x1x1x128xi32, #tpu.memory_space<hbm>> -> memref<81x128xi32, #tpu.memory_space<hbm>>
      %dma_start3A_25 = arith.constant 0 : i32
      %dma_start3A_26 = arith.constant 0 : i32
      %dma_start3A_27 = tpu.memref_slice %arg3[%run_scoped3A_3, %dma_start3A_25, %arg0, %arg1, %dma_start3A_26] : memref<2x81x2x16x128xi32, #tpu.memory_space<hbm>> -> memref<1x81x1x1x128xi32, #tpu.memory_space<hbm>>
      %dma_start3A_28 = tpu.memref_squeeze %dma_start3A_27 : memref<1x81x1x1x128xi32, #tpu.memory_space<hbm>> -> memref<81x128xi32, #tpu.memory_space<hbm>>
      tpu.enqueue_dma source(%dma_start3A_28 : memref<81x128xi32, #tpu.memory_space<hbm>>) target(%arg7 : memref<81x128xi32, #tpu.memory_space<vmem>>) target_semaphore(%run_scoped3A_20 : memref<!tpu.dma_semaphore, #tpu.memory_space<semaphore_mem>>)
      %dma_wait3A = arith.constant 0 : i32
      %dma_wait3A_29 = arith.constant 0 : i32
      %dma_wait3A_30 = tpu.memref_slice %arg3[%run_scoped3A_3, %dma_wait3A, %arg0, %arg1, %dma_wait3A_29] : memref<2x81x2x16x128xi32, #tpu.memory_space<hbm>> -> memref<1x81x1x1x128xi32, #tpu.memory_space<hbm>>
      %dma_wait3A_31 = tpu.memref_squeeze %dma_wait3A_30 : memref<1x81x1x1x128xi32, #tpu.memory_space<hbm>> -> memref<81x128xi32, #tpu.memory_space<hbm>>
      %dma_wait3A_32 = arith.constant 0 : i32
      %dma_wait3A_33 = arith.constant 0 : i32
      %dma_wait3A_34 = tpu.memref_slice %arg3[%run_scoped3A_3, %dma_wait3A_32, %arg0, %arg1, %dma_wait3A_33] : memref<2x81x2x16x128xi32, #tpu.memory_space<hbm>> -> memref<1x81x1x1x128xi32, #tpu.memory_space<hbm>>
      %dma_wait3A_35 = tpu.memref_squeeze %dma_wait3A_34 : memref<1x81x1x1x128xi32, #tpu.memory_space<hbm>> -> memref<81x128xi32, #tpu.memory_space<hbm>>
      tpu.wait_dma2 semaphore(%run_scoped3A_20 : memref<!tpu.dma_semaphore, #tpu.memory_space<semaphore_mem>>) src(%dma_wait3A_35 : memref<81x128xi32, #tpu.memory_space<hbm>>) dst(%arg7 : memref<81x128xi32, #tpu.memory_space<vmem>>)
      tpu.yield
    }) : () -> ()
    %barrier3A = arith.constant 0 : index
    tpu.barrier barrier_id(%barrier3A)
    %dma_start3A = arith.constant 0 : i32
    %dma_start3A_4 = arith.constant 0 : i32
    %dma_start3A_5 = tpu.memref_slice %arg6[%dma_start3A, %dma_start3A_4] : memref<81x128xi32, #tpu.memory_space<vmem>> -> memref<1x128xi32, #tpu.memory_space<vmem>>
    %dma_start3A_6 = tpu.memref_squeeze %dma_start3A_5 : memref<1x128xi32, #tpu.memory_space<vmem>> -> memref<128xi32, #tpu.memory_space<vmem>>
    %dma_start3A_7 = arith.constant 0 : i32
    %dma_start3A_8 = arith.constant 0 : i32
    %dma_start3A_9 = tpu.memref_slice %arg2[%dma_start3A_7, %dma_start3A_8] : memref<10112x32xf32, #tpu.memory_space<hbm>> -> memref<10112x32xf32, #tpu.memory_space<hbm>>
    tpu.enqueue_indirect_dma source(%dma_start3A_9 : memref<10112x32xf32, #tpu.memory_space<hbm>>) target(%arg8 : memref<128x32xf32, #tpu.memory_space<vmem>>) offsets(%dma_start3A_6 : memref<128xi32, #tpu.memory_space<vmem>>) semaphore(%arg11 : memref<!tpu.dma_semaphore, #tpu.memory_space<semaphore_mem>>)
    %scan3A = arith.constant 0 : i32
    %scan3A_10 = arith.constant 0 : i32
    %scan3A_11 = arith.constant 41 : i32
    %scan3A_12 = arith.addi %scan3A_10, %scan3A_11 : i32
    %scan3A_13 = arith.constant 1 : i32
    scf.for %scan3A_20 = %scan3A_10 to %scan3A_12 step %scan3A_13  : i32 {
      %mul3A_21 = arith.constant 2 : i32
      %mul3A_22 = arith.muli %mul3A_21, %scan3A_20 : i32
      %add3A = arith.constant 1 : i32
      %add3A_23 = arith.addi %mul3A_22, %add3A : i32
      %lt3A = arith.constant 81 : i32
      %lt3A_24 = arith.cmpi slt, %add3A_23, %lt3A : i32
      %convert_element_type3A = arith.extui %lt3A_24 : i1 to i32
      %cond3A = arith.constant 0 : i32
      %cond3A_25 = arith.cmpi ne, %convert_element_type3A, %cond3A : i32
      scf.if %cond3A_25 {
        %add3A_45 = arith.constant 1 : i32
        %add3A_46 = arith.addi %mul3A_22, %add3A_45 : i32
        %dma_start3A_47 = arith.constant 0 : i32
        %dma_start3A_48 = tpu.memref_slice %arg6[%add3A_46, %dma_start3A_47] : memref<81x128xi32, #tpu.memory_space<vmem>> -> memref<1x128xi32, #tpu.memory_space<vmem>>
        %dma_start3A_49 = tpu.memref_squeeze %dma_start3A_48 : memref<1x128xi32, #tpu.memory_space<vmem>> -> memref<128xi32, #tpu.memory_space<vmem>>
        %dma_start3A_50 = arith.constant 0 : i32
        %dma_start3A_51 = arith.constant 0 : i32
        %dma_start3A_52 = tpu.memref_slice %arg2[%dma_start3A_50, %dma_start3A_51] : memref<10112x32xf32, #tpu.memory_space<hbm>> -> memref<10112x32xf32, #tpu.memory_space<hbm>>
        tpu.enqueue_indirect_dma source(%dma_start3A_52 : memref<10112x32xf32, #tpu.memory_space<hbm>>) target(%arg9 : memref<128x32xf32, #tpu.memory_space<vmem>>) offsets(%dma_start3A_49 : memref<128xi32, #tpu.memory_space<vmem>>) semaphore(%arg12 : memref<!tpu.dma_semaphore, #tpu.memory_space<semaphore_mem>>)
      } else {
      }
      %dma_wait3A = arith.constant 0 : i32
      %dma_wait3A_26 = tpu.memref_slice %arg6[%mul3A_22, %dma_wait3A] : memref<81x128xi32, #tpu.memory_space<vmem>> -> memref<1x128xi32, #tpu.memory_space<vmem>>
      %dma_wait3A_27 = tpu.memref_squeeze %dma_wait3A_26 : memref<1x128xi32, #tpu.memory_space<vmem>> -> memref<128xi32, #tpu.memory_space<vmem>>
      %dma_wait3A_28 = arith.constant 0 : i32
      %dma_wait3A_29 = arith.constant 0 : i32
      %dma_wait3A_30 = tpu.memref_slice %arg2[%dma_wait3A_28, %dma_wait3A_29] : memref<10112x32xf32, #tpu.memory_space<hbm>> -> memref<10112x32xf32, #tpu.memory_space<hbm>>
      tpu.wait_indirect_dma semaphore(%arg11 : memref<!tpu.dma_semaphore, #tpu.memory_space<semaphore_mem>>) src(%dma_wait3A_30 : memref<10112x32xf32, #tpu.memory_space<hbm>>) dst(%arg8 : memref<128x32xf32, #tpu.memory_space<vmem>>)
      "tpu.region"() ({
        %run_scoped3A_45 = tpu.sem_alloc : memref<!tpu.dma_semaphore, #tpu.memory_space<semaphore_mem>>
        %dma_start3A_46 = arith.constant 0 : i32
        %dma_start3A_47 = tpu.memref_slice %arg7[%mul3A_22, %dma_start3A_46] : memref<81x128xi32, #tpu.memory_space<vmem>> -> memref<1x128xi32, #tpu.memory_space<vmem>>
        %dma_start3A_48 = tpu.memref_squeeze %dma_start3A_47 : memref<1x128xi32, #tpu.memory_space<vmem>> -> memref<128xi32, #tpu.memory_space<vmem>>
        %dma_start3A_49 = arith.constant 0 : i32
        %dma_start3A_50 = arith.constant 0 : i32
        %dma_start3A_51 = tpu.memref_slice %arg10[%dma_start3A_49, %dma_start3A_50] : memref<10112x32xf32, #tpu.memory_space<vmem_shared>> -> memref<10112x32xf32, #tpu.memory_space<vmem_shared>>
        tpu.enqueue_indirect_dma source(%arg8 : memref<128x32xf32, #tpu.memory_space<vmem>>) target(%dma_start3A_51 : memref<10112x32xf32, #tpu.memory_space<vmem_shared>>) offsets(%dma_start3A_48 : memref<128xi32, #tpu.memory_space<vmem>>) semaphore(%run_scoped3A_45 : memref<!tpu.dma_semaphore, #tpu.memory_space<semaphore_mem>>) {add = true}
        %dma_wait3A_52 = arith.constant 0 : i32
        %dma_wait3A_53 = tpu.memref_slice %arg7[%mul3A_22, %dma_wait3A_52] : memref<81x128xi32, #tpu.memory_space<vmem>> -> memref<1x128xi32, #tpu.memory_space<vmem>>
        %dma_wait3A_54 = tpu.memref_squeeze %dma_wait3A_53 : memref<1x128xi32, #tpu.memory_space<vmem>> -> memref<128xi32, #tpu.memory_space<vmem>>
        %dma_wait3A_55 = arith.constant 0 : i32
        %dma_wait3A_56 = arith.constant 0 : i32
        %dma_wait3A_57 = tpu.memref_slice %arg10[%dma_wait3A_55, %dma_wait3A_56] : memref<10112x32xf32, #tpu.memory_space<vmem_shared>> -> memref<10112x32xf32, #tpu.memory_space<vmem_shared>>
        tpu.wait_indirect_dma semaphore(%run_scoped3A_45 : memref<!tpu.dma_semaphore, #tpu.memory_space<semaphore_mem>>) src(%arg8 : memref<128x32xf32, #tpu.memory_space<vmem>>) dst(%dma_wait3A_57 : memref<10112x32xf32, #tpu.memory_space<vmem_shared>>)
        tpu.yield
      }) : () -> ()
      %add3A_31 = arith.constant 2 : i32
      %add3A_32 = arith.addi %mul3A_22, %add3A_31 : i32
      %lt3A_33 = arith.constant 81 : i32
      %lt3A_34 = arith.cmpi slt, %add3A_32, %lt3A_33 : i32
      %convert_element_type3A_35 = arith.extui %lt3A_34 : i1 to i32
      %cond3A_36 = arith.constant 0 : i32
      %cond3A_37 = arith.cmpi ne, %convert_element_type3A_35, %cond3A_36 : i32
      scf.if %cond3A_37 {
        %add3A_45 = arith.constant 2 : i32
        %add3A_46 = arith.addi %mul3A_22, %add3A_45 : i32
        %dma_start3A_47 = arith.constant 0 : i32
        %dma_start3A_48 = tpu.memref_slice %arg6[%add3A_46, %dma_start3A_47] : memref<81x128xi32, #tpu.memory_space<vmem>> -> memref<1x128xi32, #tpu.memory_space<vmem>>
        %dma_start3A_49 = tpu.memref_squeeze %dma_start3A_48 : memref<1x128xi32, #tpu.memory_space<vmem>> -> memref<128xi32, #tpu.memory_space<vmem>>
        %dma_start3A_50 = arith.constant 0 : i32
        %dma_start3A_51 = arith.constant 0 : i32
        %dma_start3A_52 = tpu.memref_slice %arg2[%dma_start3A_50, %dma_start3A_51] : memref<10112x32xf32, #tpu.memory_space<hbm>> -> memref<10112x32xf32, #tpu.memory_space<hbm>>
        tpu.enqueue_indirect_dma source(%dma_start3A_52 : memref<10112x32xf32, #tpu.memory_space<hbm>>) target(%arg8 : memref<128x32xf32, #tpu.memory_space<vmem>>) offsets(%dma_start3A_49 : memref<128xi32, #tpu.memory_space<vmem>>) semaphore(%arg11 : memref<!tpu.dma_semaphore, #tpu.memory_space<semaphore_mem>>)
      } else {
      }
      %add3A_38 = arith.constant 1 : i32
      %add3A_39 = arith.addi %mul3A_22, %add3A_38 : i32
      %lt3A_40 = arith.constant 81 : i32
      %lt3A_41 = arith.cmpi slt, %add3A_39, %lt3A_40 : i32
      %convert_element_type3A_42 = arith.extui %lt3A_41 : i1 to i32
      %cond3A_43 = arith.constant 0 : i32
      %cond3A_44 = arith.cmpi ne, %convert_element_type3A_42, %cond3A_43 : i32
      scf.if %cond3A_44 {
        %add3A_45 = arith.constant 1 : i32
        %add3A_46 = arith.addi %mul3A_22, %add3A_45 : i32
        %dma_wait3A_47 = arith.constant 0 : i32
        %dma_wait3A_48 = tpu.memref_slice %arg6[%add3A_46, %dma_wait3A_47] : memref<81x128xi32, #tpu.memory_space<vmem>> -> memref<1x128xi32, #tpu.memory_space<vmem>>
        %dma_wait3A_49 = tpu.memref_squeeze %dma_wait3A_48 : memref<1x128xi32, #tpu.memory_space<vmem>> -> memref<128xi32, #tpu.memory_space<vmem>>
        %dma_wait3A_50 = arith.constant 0 : i32
        %dma_wait3A_51 = arith.constant 0 : i32
        %dma_wait3A_52 = tpu.memref_slice %arg2[%dma_wait3A_50, %dma_wait3A_51] : memref<10112x32xf32, #tpu.memory_space<hbm>> -> memref<10112x32xf32, #tpu.memory_space<hbm>>
        tpu.wait_indirect_dma semaphore(%arg12 : memref<!tpu.dma_semaphore, #tpu.memory_space<semaphore_mem>>) src(%dma_wait3A_52 : memref<10112x32xf32, #tpu.memory_space<hbm>>) dst(%arg9 : memref<128x32xf32, #tpu.memory_space<vmem>>)
        %add3A_53 = arith.constant 1 : i32
        %add3A_54 = arith.addi %mul3A_22, %add3A_53 : i32
        "tpu.region"() ({
          %run_scoped3A_55 = tpu.sem_alloc : memref<!tpu.dma_semaphore, #tpu.memory_space<semaphore_mem>>
          %dma_start3A_56 = arith.constant 0 : i32
          %dma_start3A_57 = tpu.memref_slice %arg7[%add3A_54, %dma_start3A_56] : memref<81x128xi32, #tpu.memory_space<vmem>> -> memref<1x128xi32, #tpu.memory_space<vmem>>
          %dma_start3A_58 = tpu.memref_squeeze %dma_start3A_57 : memref<1x128xi32, #tpu.memory_space<vmem>> -> memref<128xi32, #tpu.memory_space<vmem>>
          %dma_start3A_59 = arith.constant 0 : i32
          %dma_start3A_60 = arith.constant 0 : i32
          %dma_start3A_61 = tpu.memref_slice %arg10[%dma_start3A_59, %dma_start3A_60] : memref<10112x32xf32, #tpu.memory_space<vmem_shared>> -> memref<10112x32xf32, #tpu.memory_space<vmem_shared>>
          tpu.enqueue_indirect_dma source(%arg9 : memref<128x32xf32, #tpu.memory_space<vmem>>) target(%dma_start3A_61 : memref<10112x32xf32, #tpu.memory_space<vmem_shared>>) offsets(%dma_start3A_58 : memref<128xi32, #tpu.memory_space<vmem>>) semaphore(%run_scoped3A_55 : memref<!tpu.dma_semaphore, #tpu.memory_space<semaphore_mem>>) {add = true}
          %dma_wait3A_62 = arith.constant 0 : i32
          %dma_wait3A_63 = tpu.memref_slice %arg7[%add3A_54, %dma_wait3A_62] : memref<81x128xi32, #tpu.memory_space<vmem>> -> memref<1x128xi32, #tpu.memory_space<vmem>>
          %dma_wait3A_64 = tpu.memref_squeeze %dma_wait3A_63 : memref<1x128xi32, #tpu.memory_space<vmem>> -> memref<128xi32, #tpu.memory_space<vmem>>
          %dma_wait3A_65 = arith.constant 0 : i32
          %dma_wait3A_66 = arith.constant 0 : i32
          %dma_wait3A_67 = tpu.memref_slice %arg10[%dma_wait3A_65, %dma_wait3A_66] : memref<10112x32xf32, #tpu.memory_space<vmem_shared>> -> memref<10112x32xf32, #tpu.memory_space<vmem_shared>>
          tpu.wait_indirect_dma semaphore(%run_scoped3A_55 : memref<!tpu.dma_semaphore, #tpu.memory_space<semaphore_mem>>) src(%arg9 : memref<128x32xf32, #tpu.memory_space<vmem>>) dst(%dma_wait3A_67 : memref<10112x32xf32, #tpu.memory_space<vmem_shared>>)
          tpu.yield
        }) : () -> ()
      } else {
      }
    }
    %scan3A_14 = arith.constant 41 : i32
    %barrier3A_15 = arith.constant 0 : index
    tpu.barrier barrier_id(%barrier3A_15)
    %mul3A_16 = arith.constant 632 : i32
    %mul3A_17 = arith.muli %arg1, %mul3A_16 : i32
    %mul3A_18 = arith.constant 632 : i32
    %mul3A_19 = arith.muli %arg1, %mul3A_18 : i32
    "tpu.region"() ({
      %run_scoped3A_20 = tpu.sem_alloc : memref<!tpu.dma_semaphore, #tpu.memory_space<semaphore_mem>>
      %dma_start3A_21 = arith.constant 0 : i32
      %dma_start3A_22 = arith.constant 0 : i32
      %dma_start3A_23 = tpu.memref_slice %arg5[%arg0, %dma_start3A_21, %dma_start3A_22] : memref<2x10112x32xf32, #tpu.memory_space<hbm>> -> memref<1x10112x32xf32, #tpu.memory_space<hbm>>
      %dma_start3A_24 = tpu.memref_squeeze %dma_start3A_23 : memref<1x10112x32xf32, #tpu.memory_space<hbm>> -> memref<10112x32xf32, #tpu.memory_space<hbm>>
      %dma_start3A_25 = arith.constant 0 : i32
      %dma_start3A_26 = tpu.memref_slice %dma_start3A_24[%mul3A_19, %dma_start3A_25] : memref<10112x32xf32, #tpu.memory_space<hbm>> -> memref<632x32xf32, #tpu.memory_space<hbm>>
      %dma_start3A_27 = arith.constant 0 : i32
      %dma_start3A_28 = tpu.memref_slice %arg10[%mul3A_17, %dma_start3A_27] : memref<10112x32xf32, #tpu.memory_space<vmem_shared>> -> memref<632x32xf32, #tpu.memory_space<vmem_shared>>
      tpu.enqueue_dma source(%dma_start3A_28 : memref<632x32xf32, #tpu.memory_space<vmem_shared>>) target(%dma_start3A_26 : memref<632x32xf32, #tpu.memory_space<hbm>>) target_semaphore(%run_scoped3A_20 : memref<!tpu.dma_semaphore, #tpu.memory_space<semaphore_mem>>)
      %dma_wait3A = arith.constant 0 : i32
      %dma_wait3A_29 = arith.constant 0 : i32
      %dma_wait3A_30 = tpu.memref_slice %arg5[%arg0, %dma_wait3A, %dma_wait3A_29] : memref<2x10112x32xf32, #tpu.memory_space<hbm>> -> memref<1x10112x32xf32, #tpu.memory_space<hbm>>
      %dma_wait3A_31 = tpu.memref_squeeze %dma_wait3A_30 : memref<1x10112x32xf32, #tpu.memory_space<hbm>> -> memref<10112x32xf32, #tpu.memory_space<hbm>>
      %dma_wait3A_32 = arith.constant 0 : i32
      %dma_wait3A_33 = tpu.memref_slice %dma_wait3A_31[%mul3A_19, %dma_wait3A_32] : memref<10112x32xf32, #tpu.memory_space<hbm>> -> memref<632x32xf32, #tpu.memory_space<hbm>>
      %dma_wait3A_34 = arith.constant 0 : i32
      %dma_wait3A_35 = tpu.memref_slice %arg10[%mul3A_17, %dma_wait3A_34] : memref<10112x32xf32, #tpu.memory_space<vmem_shared>> -> memref<632x32xf32, #tpu.memory_space<vmem_shared>>
      tpu.wait_dma2 semaphore(%run_scoped3A_20 : memref<!tpu.dma_semaphore, #tpu.memory_space<semaphore_mem>>) src(%dma_wait3A_35 : memref<632x32xf32, #tpu.memory_space<vmem_shared>>) dst(%dma_wait3A_33 : memref<632x32xf32, #tpu.memory_space<hbm>>)
      tpu.yield
    }) : () -> ()
    return
  }
}

#map = affine_map<(d0, d1) -> (0, 0)>
#map1 = affine_map<(d0, d1) -> (0, 0, 0, 0, 0)>
#map2 = affine_map<(d0, d1) -> (0, 0, 0)>
module attributes {stable_mosaic.version = 14 : i64} {
  func.func @prop_kernel(%arg0: i32, %arg1: i32, %arg2: memref<10112x64xf32, #tpu.memory_space<hbm>>, %arg3: memref<2x81x2x16x128xi32, #tpu.memory_space<hbm>>, %arg4: memref<10112x64xf32, #tpu.memory_space<hbm>>, %arg5: memref<2x10112x64xf32, #tpu.memory_space<hbm>>, %arg6: memref<81x128xi32, #tpu.memory_space<vmem>>, %arg7: memref<81x128xi32, #tpu.memory_space<vmem>>, %arg8: memref<128x64xf32, #tpu.memory_space<vmem>>, %arg9: memref<128x64xf32, #tpu.memory_space<vmem>>, %arg10: memref<10112x64xf32, #tpu.memory_space<vmem_shared>>, %arg11: memref<!tpu.dma_semaphore, #tpu.memory_space<semaphore_mem>>, %arg12: memref<!tpu.dma_semaphore, #tpu.memory_space<semaphore_mem>>) attributes {dimension_semantics = [#tpu.dimension_semantics<core_parallel>, #tpu.dimension_semantics<subcore_parallel>], iteration_bounds = array<i64: 2, 16>, scalar_prefetch = 0 : i64, scratch_operands = 7 : i64, tpu.core_type = #tpu.core_type<sc_vector_subcore>, window_params = [{transform_indices = #map}, {transform_indices = #map1}, {transform_indices = #map}, {transform_indices = #map2}]} {
    %mul3A = arith.constant 632 : i32
    %mul3A_0 = arith.muli %arg1, %mul3A : i32
    %mul3A_1 = arith.constant 632 : i32
    %mul3A_2 = arith.muli %arg1, %mul3A_1 : i32
    "tpu.region"() ({
      %run_scoped3A_20 = tpu.sem_alloc : memref<!tpu.dma_semaphore, #tpu.memory_space<semaphore_mem>>
      %dma_start3A_21 = arith.constant 0 : i32
      %dma_start3A_22 = tpu.memref_slice %arg10[%mul3A_2, %dma_start3A_21] : memref<10112x64xf32, #tpu.memory_space<vmem_shared>> -> memref<632x64xf32, #tpu.memory_space<vmem_shared>>
      %dma_start3A_23 = arith.constant 0 : i32
      %dma_start3A_24 = tpu.memref_slice %arg4[%mul3A_0, %dma_start3A_23] : memref<10112x64xf32, #tpu.memory_space<hbm>> -> memref<632x64xf32, #tpu.memory_space<hbm>>
      tpu.enqueue_dma source(%dma_start3A_24 : memref<632x64xf32, #tpu.memory_space<hbm>>) target(%dma_start3A_22 : memref<632x64xf32, #tpu.memory_space<vmem_shared>>) target_semaphore(%run_scoped3A_20 : memref<!tpu.dma_semaphore, #tpu.memory_space<semaphore_mem>>)
      %dma_wait3A = arith.constant 0 : i32
      %dma_wait3A_25 = tpu.memref_slice %arg10[%mul3A_2, %dma_wait3A] : memref<10112x64xf32, #tpu.memory_space<vmem_shared>> -> memref<632x64xf32, #tpu.memory_space<vmem_shared>>
      %dma_wait3A_26 = arith.constant 0 : i32
      %dma_wait3A_27 = tpu.memref_slice %arg4[%mul3A_0, %dma_wait3A_26] : memref<10112x64xf32, #tpu.memory_space<hbm>> -> memref<632x64xf32, #tpu.memory_space<hbm>>
      tpu.wait_dma2 semaphore(%run_scoped3A_20 : memref<!tpu.dma_semaphore, #tpu.memory_space<semaphore_mem>>) src(%dma_wait3A_27 : memref<632x64xf32, #tpu.memory_space<hbm>>) dst(%dma_wait3A_25 : memref<632x64xf32, #tpu.memory_space<vmem_shared>>)
      tpu.yield
    }) : () -> ()
    %run_scoped3A = arith.constant 0 : i32
    "tpu.region"() ({
      %run_scoped3A_20 = tpu.sem_alloc : memref<!tpu.dma_semaphore, #tpu.memory_space<semaphore_mem>>
      %dma_start3A_21 = arith.constant 0 : i32
      %dma_start3A_22 = arith.constant 0 : i32
      %dma_start3A_23 = tpu.memref_slice %arg3[%run_scoped3A, %dma_start3A_21, %arg0, %arg1, %dma_start3A_22] : memref<2x81x2x16x128xi32, #tpu.memory_space<hbm>> -> memref<1x81x1x1x128xi32, #tpu.memory_space<hbm>>
      %dma_start3A_24 = tpu.memref_squeeze %dma_start3A_23 : memref<1x81x1x1x128xi32, #tpu.memory_space<hbm>> -> memref<81x128xi32, #tpu.memory_space<hbm>>
      %dma_start3A_25 = arith.constant 0 : i32
      %dma_start3A_26 = arith.constant 0 : i32
      %dma_start3A_27 = tpu.memref_slice %arg3[%run_scoped3A, %dma_start3A_25, %arg0, %arg1, %dma_start3A_26] : memref<2x81x2x16x128xi32, #tpu.memory_space<hbm>> -> memref<1x81x1x1x128xi32, #tpu.memory_space<hbm>>
      %dma_start3A_28 = tpu.memref_squeeze %dma_start3A_27 : memref<1x81x1x1x128xi32, #tpu.memory_space<hbm>> -> memref<81x128xi32, #tpu.memory_space<hbm>>
      tpu.enqueue_dma source(%dma_start3A_28 : memref<81x128xi32, #tpu.memory_space<hbm>>) target(%arg6 : memref<81x128xi32, #tpu.memory_space<vmem>>) target_semaphore(%run_scoped3A_20 : memref<!tpu.dma_semaphore, #tpu.memory_space<semaphore_mem>>)
      %dma_wait3A = arith.constant 0 : i32
      %dma_wait3A_29 = arith.constant 0 : i32
      %dma_wait3A_30 = tpu.memref_slice %arg3[%run_scoped3A, %dma_wait3A, %arg0, %arg1, %dma_wait3A_29] : memref<2x81x2x16x128xi32, #tpu.memory_space<hbm>> -> memref<1x81x1x1x128xi32, #tpu.memory_space<hbm>>
      %dma_wait3A_31 = tpu.memref_squeeze %dma_wait3A_30 : memref<1x81x1x1x128xi32, #tpu.memory_space<hbm>> -> memref<81x128xi32, #tpu.memory_space<hbm>>
      %dma_wait3A_32 = arith.constant 0 : i32
      %dma_wait3A_33 = arith.constant 0 : i32
      %dma_wait3A_34 = tpu.memref_slice %arg3[%run_scoped3A, %dma_wait3A_32, %arg0, %arg1, %dma_wait3A_33] : memref<2x81x2x16x128xi32, #tpu.memory_space<hbm>> -> memref<1x81x1x1x128xi32, #tpu.memory_space<hbm>>
      %dma_wait3A_35 = tpu.memref_squeeze %dma_wait3A_34 : memref<1x81x1x1x128xi32, #tpu.memory_space<hbm>> -> memref<81x128xi32, #tpu.memory_space<hbm>>
      tpu.wait_dma2 semaphore(%run_scoped3A_20 : memref<!tpu.dma_semaphore, #tpu.memory_space<semaphore_mem>>) src(%dma_wait3A_35 : memref<81x128xi32, #tpu.memory_space<hbm>>) dst(%arg6 : memref<81x128xi32, #tpu.memory_space<vmem>>)
      tpu.yield
    }) : () -> ()
    %run_scoped3A_3 = arith.constant 1 : i32
    "tpu.region"() ({
      %run_scoped3A_20 = tpu.sem_alloc : memref<!tpu.dma_semaphore, #tpu.memory_space<semaphore_mem>>
      %dma_start3A_21 = arith.constant 0 : i32
      %dma_start3A_22 = arith.constant 0 : i32
      %dma_start3A_23 = tpu.memref_slice %arg3[%run_scoped3A_3, %dma_start3A_21, %arg0, %arg1, %dma_start3A_22] : memref<2x81x2x16x128xi32, #tpu.memory_space<hbm>> -> memref<1x81x1x1x128xi32, #tpu.memory_space<hbm>>
      %dma_start3A_24 = tpu.memref_squeeze %dma_start3A_23 : memref<1x81x1x1x128xi32, #tpu.memory_space<hbm>> -> memref<81x128xi32, #tpu.memory_space<hbm>>
      %dma_start3A_25 = arith.constant 0 : i32
      %dma_start3A_26 = arith.constant 0 : i32
      %dma_start3A_27 = tpu.memref_slice %arg3[%run_scoped3A_3, %dma_start3A_25, %arg0, %arg1, %dma_start3A_26] : memref<2x81x2x16x128xi32, #tpu.memory_space<hbm>> -> memref<1x81x1x1x128xi32, #tpu.memory_space<hbm>>
      %dma_start3A_28 = tpu.memref_squeeze %dma_start3A_27 : memref<1x81x1x1x128xi32, #tpu.memory_space<hbm>> -> memref<81x128xi32, #tpu.memory_space<hbm>>
      tpu.enqueue_dma source(%dma_start3A_28 : memref<81x128xi32, #tpu.memory_space<hbm>>) target(%arg7 : memref<81x128xi32, #tpu.memory_space<vmem>>) target_semaphore(%run_scoped3A_20 : memref<!tpu.dma_semaphore, #tpu.memory_space<semaphore_mem>>)
      %dma_wait3A = arith.constant 0 : i32
      %dma_wait3A_29 = arith.constant 0 : i32
      %dma_wait3A_30 = tpu.memref_slice %arg3[%run_scoped3A_3, %dma_wait3A, %arg0, %arg1, %dma_wait3A_29] : memref<2x81x2x16x128xi32, #tpu.memory_space<hbm>> -> memref<1x81x1x1x128xi32, #tpu.memory_space<hbm>>
      %dma_wait3A_31 = tpu.memref_squeeze %dma_wait3A_30 : memref<1x81x1x1x128xi32, #tpu.memory_space<hbm>> -> memref<81x128xi32, #tpu.memory_space<hbm>>
      %dma_wait3A_32 = arith.constant 0 : i32
      %dma_wait3A_33 = arith.constant 0 : i32
      %dma_wait3A_34 = tpu.memref_slice %arg3[%run_scoped3A_3, %dma_wait3A_32, %arg0, %arg1, %dma_wait3A_33] : memref<2x81x2x16x128xi32, #tpu.memory_space<hbm>> -> memref<1x81x1x1x128xi32, #tpu.memory_space<hbm>>
      %dma_wait3A_35 = tpu.memref_squeeze %dma_wait3A_34 : memref<1x81x1x1x128xi32, #tpu.memory_space<hbm>> -> memref<81x128xi32, #tpu.memory_space<hbm>>
      tpu.wait_dma2 semaphore(%run_scoped3A_20 : memref<!tpu.dma_semaphore, #tpu.memory_space<semaphore_mem>>) src(%dma_wait3A_35 : memref<81x128xi32, #tpu.memory_space<hbm>>) dst(%arg7 : memref<81x128xi32, #tpu.memory_space<vmem>>)
      tpu.yield
    }) : () -> ()
    %barrier3A = arith.constant 0 : index
    tpu.barrier barrier_id(%barrier3A)
    %dma_start3A = arith.constant 0 : i32
    %dma_start3A_4 = arith.constant 0 : i32
    %dma_start3A_5 = tpu.memref_slice %arg6[%dma_start3A, %dma_start3A_4] : memref<81x128xi32, #tpu.memory_space<vmem>> -> memref<1x128xi32, #tpu.memory_space<vmem>>
    %dma_start3A_6 = tpu.memref_squeeze %dma_start3A_5 : memref<1x128xi32, #tpu.memory_space<vmem>> -> memref<128xi32, #tpu.memory_space<vmem>>
    %dma_start3A_7 = arith.constant 0 : i32
    %dma_start3A_8 = arith.constant 0 : i32
    %dma_start3A_9 = tpu.memref_slice %arg2[%dma_start3A_7, %dma_start3A_8] : memref<10112x64xf32, #tpu.memory_space<hbm>> -> memref<10112x64xf32, #tpu.memory_space<hbm>>
    tpu.enqueue_indirect_dma source(%dma_start3A_9 : memref<10112x64xf32, #tpu.memory_space<hbm>>) target(%arg8 : memref<128x64xf32, #tpu.memory_space<vmem>>) offsets(%dma_start3A_6 : memref<128xi32, #tpu.memory_space<vmem>>) semaphore(%arg11 : memref<!tpu.dma_semaphore, #tpu.memory_space<semaphore_mem>>)
    %scan3A = arith.constant 0 : i32
    %scan3A_10 = arith.constant 0 : i32
    %scan3A_11 = arith.constant 41 : i32
    %scan3A_12 = arith.addi %scan3A_10, %scan3A_11 : i32
    %scan3A_13 = arith.constant 1 : i32
    scf.for %scan3A_20 = %scan3A_10 to %scan3A_12 step %scan3A_13  : i32 {
      %mul3A_21 = arith.constant 2 : i32
      %mul3A_22 = arith.muli %mul3A_21, %scan3A_20 : i32
      %add3A = arith.constant 1 : i32
      %add3A_23 = arith.addi %mul3A_22, %add3A : i32
      %lt3A = arith.constant 81 : i32
      %lt3A_24 = arith.cmpi slt, %add3A_23, %lt3A : i32
      %convert_element_type3A = arith.extui %lt3A_24 : i1 to i32
      %cond3A = arith.constant 0 : i32
      %cond3A_25 = arith.cmpi ne, %convert_element_type3A, %cond3A : i32
      scf.if %cond3A_25 {
        %add3A_45 = arith.constant 1 : i32
        %add3A_46 = arith.addi %mul3A_22, %add3A_45 : i32
        %dma_start3A_47 = arith.constant 0 : i32
        %dma_start3A_48 = tpu.memref_slice %arg6[%add3A_46, %dma_start3A_47] : memref<81x128xi32, #tpu.memory_space<vmem>> -> memref<1x128xi32, #tpu.memory_space<vmem>>
        %dma_start3A_49 = tpu.memref_squeeze %dma_start3A_48 : memref<1x128xi32, #tpu.memory_space<vmem>> -> memref<128xi32, #tpu.memory_space<vmem>>
        %dma_start3A_50 = arith.constant 0 : i32
        %dma_start3A_51 = arith.constant 0 : i32
        %dma_start3A_52 = tpu.memref_slice %arg2[%dma_start3A_50, %dma_start3A_51] : memref<10112x64xf32, #tpu.memory_space<hbm>> -> memref<10112x64xf32, #tpu.memory_space<hbm>>
        tpu.enqueue_indirect_dma source(%dma_start3A_52 : memref<10112x64xf32, #tpu.memory_space<hbm>>) target(%arg9 : memref<128x64xf32, #tpu.memory_space<vmem>>) offsets(%dma_start3A_49 : memref<128xi32, #tpu.memory_space<vmem>>) semaphore(%arg12 : memref<!tpu.dma_semaphore, #tpu.memory_space<semaphore_mem>>)
      } else {
      }
      %dma_wait3A = arith.constant 0 : i32
      %dma_wait3A_26 = tpu.memref_slice %arg6[%mul3A_22, %dma_wait3A] : memref<81x128xi32, #tpu.memory_space<vmem>> -> memref<1x128xi32, #tpu.memory_space<vmem>>
      %dma_wait3A_27 = tpu.memref_squeeze %dma_wait3A_26 : memref<1x128xi32, #tpu.memory_space<vmem>> -> memref<128xi32, #tpu.memory_space<vmem>>
      %dma_wait3A_28 = arith.constant 0 : i32
      %dma_wait3A_29 = arith.constant 0 : i32
      %dma_wait3A_30 = tpu.memref_slice %arg2[%dma_wait3A_28, %dma_wait3A_29] : memref<10112x64xf32, #tpu.memory_space<hbm>> -> memref<10112x64xf32, #tpu.memory_space<hbm>>
      tpu.wait_indirect_dma semaphore(%arg11 : memref<!tpu.dma_semaphore, #tpu.memory_space<semaphore_mem>>) src(%dma_wait3A_30 : memref<10112x64xf32, #tpu.memory_space<hbm>>) dst(%arg8 : memref<128x64xf32, #tpu.memory_space<vmem>>)
      "tpu.region"() ({
        %run_scoped3A_45 = tpu.sem_alloc : memref<!tpu.dma_semaphore, #tpu.memory_space<semaphore_mem>>
        %dma_start3A_46 = arith.constant 0 : i32
        %dma_start3A_47 = tpu.memref_slice %arg7[%mul3A_22, %dma_start3A_46] : memref<81x128xi32, #tpu.memory_space<vmem>> -> memref<1x128xi32, #tpu.memory_space<vmem>>
        %dma_start3A_48 = tpu.memref_squeeze %dma_start3A_47 : memref<1x128xi32, #tpu.memory_space<vmem>> -> memref<128xi32, #tpu.memory_space<vmem>>
        %dma_start3A_49 = arith.constant 0 : i32
        %dma_start3A_50 = arith.constant 0 : i32
        %dma_start3A_51 = tpu.memref_slice %arg10[%dma_start3A_49, %dma_start3A_50] : memref<10112x64xf32, #tpu.memory_space<vmem_shared>> -> memref<10112x64xf32, #tpu.memory_space<vmem_shared>>
        tpu.enqueue_indirect_dma source(%arg8 : memref<128x64xf32, #tpu.memory_space<vmem>>) target(%dma_start3A_51 : memref<10112x64xf32, #tpu.memory_space<vmem_shared>>) offsets(%dma_start3A_48 : memref<128xi32, #tpu.memory_space<vmem>>) semaphore(%run_scoped3A_45 : memref<!tpu.dma_semaphore, #tpu.memory_space<semaphore_mem>>) {add = true}
        %dma_wait3A_52 = arith.constant 0 : i32
        %dma_wait3A_53 = tpu.memref_slice %arg7[%mul3A_22, %dma_wait3A_52] : memref<81x128xi32, #tpu.memory_space<vmem>> -> memref<1x128xi32, #tpu.memory_space<vmem>>
        %dma_wait3A_54 = tpu.memref_squeeze %dma_wait3A_53 : memref<1x128xi32, #tpu.memory_space<vmem>> -> memref<128xi32, #tpu.memory_space<vmem>>
        %dma_wait3A_55 = arith.constant 0 : i32
        %dma_wait3A_56 = arith.constant 0 : i32
        %dma_wait3A_57 = tpu.memref_slice %arg10[%dma_wait3A_55, %dma_wait3A_56] : memref<10112x64xf32, #tpu.memory_space<vmem_shared>> -> memref<10112x64xf32, #tpu.memory_space<vmem_shared>>
        tpu.wait_indirect_dma semaphore(%run_scoped3A_45 : memref<!tpu.dma_semaphore, #tpu.memory_space<semaphore_mem>>) src(%arg8 : memref<128x64xf32, #tpu.memory_space<vmem>>) dst(%dma_wait3A_57 : memref<10112x64xf32, #tpu.memory_space<vmem_shared>>)
        tpu.yield
      }) : () -> ()
      %add3A_31 = arith.constant 2 : i32
      %add3A_32 = arith.addi %mul3A_22, %add3A_31 : i32
      %lt3A_33 = arith.constant 81 : i32
      %lt3A_34 = arith.cmpi slt, %add3A_32, %lt3A_33 : i32
      %convert_element_type3A_35 = arith.extui %lt3A_34 : i1 to i32
      %cond3A_36 = arith.constant 0 : i32
      %cond3A_37 = arith.cmpi ne, %convert_element_type3A_35, %cond3A_36 : i32
      scf.if %cond3A_37 {
        %add3A_45 = arith.constant 2 : i32
        %add3A_46 = arith.addi %mul3A_22, %add3A_45 : i32
        %dma_start3A_47 = arith.constant 0 : i32
        %dma_start3A_48 = tpu.memref_slice %arg6[%add3A_46, %dma_start3A_47] : memref<81x128xi32, #tpu.memory_space<vmem>> -> memref<1x128xi32, #tpu.memory_space<vmem>>
        %dma_start3A_49 = tpu.memref_squeeze %dma_start3A_48 : memref<1x128xi32, #tpu.memory_space<vmem>> -> memref<128xi32, #tpu.memory_space<vmem>>
        %dma_start3A_50 = arith.constant 0 : i32
        %dma_start3A_51 = arith.constant 0 : i32
        %dma_start3A_52 = tpu.memref_slice %arg2[%dma_start3A_50, %dma_start3A_51] : memref<10112x64xf32, #tpu.memory_space<hbm>> -> memref<10112x64xf32, #tpu.memory_space<hbm>>
        tpu.enqueue_indirect_dma source(%dma_start3A_52 : memref<10112x64xf32, #tpu.memory_space<hbm>>) target(%arg8 : memref<128x64xf32, #tpu.memory_space<vmem>>) offsets(%dma_start3A_49 : memref<128xi32, #tpu.memory_space<vmem>>) semaphore(%arg11 : memref<!tpu.dma_semaphore, #tpu.memory_space<semaphore_mem>>)
      } else {
      }
      %add3A_38 = arith.constant 1 : i32
      %add3A_39 = arith.addi %mul3A_22, %add3A_38 : i32
      %lt3A_40 = arith.constant 81 : i32
      %lt3A_41 = arith.cmpi slt, %add3A_39, %lt3A_40 : i32
      %convert_element_type3A_42 = arith.extui %lt3A_41 : i1 to i32
      %cond3A_43 = arith.constant 0 : i32
      %cond3A_44 = arith.cmpi ne, %convert_element_type3A_42, %cond3A_43 : i32
      scf.if %cond3A_44 {
        %add3A_45 = arith.constant 1 : i32
        %add3A_46 = arith.addi %mul3A_22, %add3A_45 : i32
        %dma_wait3A_47 = arith.constant 0 : i32
        %dma_wait3A_48 = tpu.memref_slice %arg6[%add3A_46, %dma_wait3A_47] : memref<81x128xi32, #tpu.memory_space<vmem>> -> memref<1x128xi32, #tpu.memory_space<vmem>>
        %dma_wait3A_49 = tpu.memref_squeeze %dma_wait3A_48 : memref<1x128xi32, #tpu.memory_space<vmem>> -> memref<128xi32, #tpu.memory_space<vmem>>
        %dma_wait3A_50 = arith.constant 0 : i32
        %dma_wait3A_51 = arith.constant 0 : i32
        %dma_wait3A_52 = tpu.memref_slice %arg2[%dma_wait3A_50, %dma_wait3A_51] : memref<10112x64xf32, #tpu.memory_space<hbm>> -> memref<10112x64xf32, #tpu.memory_space<hbm>>
        tpu.wait_indirect_dma semaphore(%arg12 : memref<!tpu.dma_semaphore, #tpu.memory_space<semaphore_mem>>) src(%dma_wait3A_52 : memref<10112x64xf32, #tpu.memory_space<hbm>>) dst(%arg9 : memref<128x64xf32, #tpu.memory_space<vmem>>)
        %add3A_53 = arith.constant 1 : i32
        %add3A_54 = arith.addi %mul3A_22, %add3A_53 : i32
        "tpu.region"() ({
          %run_scoped3A_55 = tpu.sem_alloc : memref<!tpu.dma_semaphore, #tpu.memory_space<semaphore_mem>>
          %dma_start3A_56 = arith.constant 0 : i32
          %dma_start3A_57 = tpu.memref_slice %arg7[%add3A_54, %dma_start3A_56] : memref<81x128xi32, #tpu.memory_space<vmem>> -> memref<1x128xi32, #tpu.memory_space<vmem>>
          %dma_start3A_58 = tpu.memref_squeeze %dma_start3A_57 : memref<1x128xi32, #tpu.memory_space<vmem>> -> memref<128xi32, #tpu.memory_space<vmem>>
          %dma_start3A_59 = arith.constant 0 : i32
          %dma_start3A_60 = arith.constant 0 : i32
          %dma_start3A_61 = tpu.memref_slice %arg10[%dma_start3A_59, %dma_start3A_60] : memref<10112x64xf32, #tpu.memory_space<vmem_shared>> -> memref<10112x64xf32, #tpu.memory_space<vmem_shared>>
          tpu.enqueue_indirect_dma source(%arg9 : memref<128x64xf32, #tpu.memory_space<vmem>>) target(%dma_start3A_61 : memref<10112x64xf32, #tpu.memory_space<vmem_shared>>) offsets(%dma_start3A_58 : memref<128xi32, #tpu.memory_space<vmem>>) semaphore(%run_scoped3A_55 : memref<!tpu.dma_semaphore, #tpu.memory_space<semaphore_mem>>) {add = true}
          %dma_wait3A_62 = arith.constant 0 : i32
          %dma_wait3A_63 = tpu.memref_slice %arg7[%add3A_54, %dma_wait3A_62] : memref<81x128xi32, #tpu.memory_space<vmem>> -> memref<1x128xi32, #tpu.memory_space<vmem>>
          %dma_wait3A_64 = tpu.memref_squeeze %dma_wait3A_63 : memref<1x128xi32, #tpu.memory_space<vmem>> -> memref<128xi32, #tpu.memory_space<vmem>>
          %dma_wait3A_65 = arith.constant 0 : i32
          %dma_wait3A_66 = arith.constant 0 : i32
          %dma_wait3A_67 = tpu.memref_slice %arg10[%dma_wait3A_65, %dma_wait3A_66] : memref<10112x64xf32, #tpu.memory_space<vmem_shared>> -> memref<10112x64xf32, #tpu.memory_space<vmem_shared>>
          tpu.wait_indirect_dma semaphore(%run_scoped3A_55 : memref<!tpu.dma_semaphore, #tpu.memory_space<semaphore_mem>>) src(%arg9 : memref<128x64xf32, #tpu.memory_space<vmem>>) dst(%dma_wait3A_67 : memref<10112x64xf32, #tpu.memory_space<vmem_shared>>)
          tpu.yield
        }) : () -> ()
      } else {
      }
    }
    %scan3A_14 = arith.constant 41 : i32
    %barrier3A_15 = arith.constant 0 : index
    tpu.barrier barrier_id(%barrier3A_15)
    %mul3A_16 = arith.constant 632 : i32
    %mul3A_17 = arith.muli %arg1, %mul3A_16 : i32
    %mul3A_18 = arith.constant 632 : i32
    %mul3A_19 = arith.muli %arg1, %mul3A_18 : i32
    "tpu.region"() ({
      %run_scoped3A_20 = tpu.sem_alloc : memref<!tpu.dma_semaphore, #tpu.memory_space<semaphore_mem>>
      %dma_start3A_21 = arith.constant 0 : i32
      %dma_start3A_22 = arith.constant 0 : i32
      %dma_start3A_23 = tpu.memref_slice %arg5[%arg0, %dma_start3A_21, %dma_start3A_22] : memref<2x10112x64xf32, #tpu.memory_space<hbm>> -> memref<1x10112x64xf32, #tpu.memory_space<hbm>>
      %dma_start3A_24 = tpu.memref_squeeze %dma_start3A_23 : memref<1x10112x64xf32, #tpu.memory_space<hbm>> -> memref<10112x64xf32, #tpu.memory_space<hbm>>
      %dma_start3A_25 = arith.constant 0 : i32
      %dma_start3A_26 = tpu.memref_slice %dma_start3A_24[%mul3A_19, %dma_start3A_25] : memref<10112x64xf32, #tpu.memory_space<hbm>> -> memref<632x64xf32, #tpu.memory_space<hbm>>
      %dma_start3A_27 = arith.constant 0 : i32
      %dma_start3A_28 = tpu.memref_slice %arg10[%mul3A_17, %dma_start3A_27] : memref<10112x64xf32, #tpu.memory_space<vmem_shared>> -> memref<632x64xf32, #tpu.memory_space<vmem_shared>>
      tpu.enqueue_dma source(%dma_start3A_28 : memref<632x64xf32, #tpu.memory_space<vmem_shared>>) target(%dma_start3A_26 : memref<632x64xf32, #tpu.memory_space<hbm>>) target_semaphore(%run_scoped3A_20 : memref<!tpu.dma_semaphore, #tpu.memory_space<semaphore_mem>>)
      %dma_wait3A = arith.constant 0 : i32
      %dma_wait3A_29 = arith.constant 0 : i32
      %dma_wait3A_30 = tpu.memref_slice %arg5[%arg0, %dma_wait3A, %dma_wait3A_29] : memref<2x10112x64xf32, #tpu.memory_space<hbm>> -> memref<1x10112x64xf32, #tpu.memory_space<hbm>>
      %dma_wait3A_31 = tpu.memref_squeeze %dma_wait3A_30 : memref<1x10112x64xf32, #tpu.memory_space<hbm>> -> memref<10112x64xf32, #tpu.memory_space<hbm>>
      %dma_wait3A_32 = arith.constant 0 : i32
      %dma_wait3A_33 = tpu.memref_slice %dma_wait3A_31[%mul3A_19, %dma_wait3A_32] : memref<10112x64xf32, #tpu.memory_space<hbm>> -> memref<632x64xf32, #tpu.memory_space<hbm>>
      %dma_wait3A_34 = arith.constant 0 : i32
      %dma_wait3A_35 = tpu.memref_slice %arg10[%mul3A_17, %dma_wait3A_34] : memref<10112x64xf32, #tpu.memory_space<vmem_shared>> -> memref<632x64xf32, #tpu.memory_space<vmem_shared>>
      tpu.wait_dma2 semaphore(%run_scoped3A_20 : memref<!tpu.dma_semaphore, #tpu.memory_space<semaphore_mem>>) src(%dma_wait3A_35 : memref<632x64xf32, #tpu.memory_space<vmem_shared>>) dst(%dma_wait3A_33 : memref<632x64xf32, #tpu.memory_space<hbm>>)
      tpu.yield
    }) : () -> ()
    return
  }
}

module attributes {stable_mosaic.version = 14 : i64} {
  func.func @_stage_a0(%arg0: memref<10112x128xf32, #tpu.memory_space<vmem>>, %arg1: memref<128x64xf32, #tpu.memory_space<vmem>>, %arg2: memref<10112x64xf32, #tpu.memory_space<vmem>>) attributes {dimension_semantics = [], scalar_prefetch = 0 : i64, scratch_operands = 0 : i64, tpu.core_type = #tpu.core_type<tc>} {
    %get3A = arith.constant 0 : index
    %get3A_0 = arith.constant 0 : index
    %get3A_1 = vector.load %arg0[%get3A, %get3A_0] : memref<10112x128xf32, #tpu.memory_space<vmem>>, vector<10112x128xf32>
    %get3A_2 = arith.constant 0 : index
    %get3A_3 = arith.constant 0 : index
    %get3A_4 = vector.load %arg1[%get3A_2, %get3A_3] : memref<128x64xf32, #tpu.memory_space<vmem>>, vector<128x64xf32>
    %dot_general3A = arith.constant dense<0.000000e+00> : vector<10112x64xf32>
    %dot_general3A_5 = tpu.matmul %get3A_1, %get3A_4, %dot_general3A {dimension_numbers = #tpu.dot_dimension_numbers<[1], [0], [0], [1], [0, 0, 1, 1], [], []>, transpose_lhs_hint = false} : vector<10112x128xf32>, vector<128x64xf32>, vector<10112x64xf32> -> vector<10112x64xf32>
    %swap3A = arith.constant 0 : index
    %swap3A_6 = arith.constant 0 : index
    %swap3A_7 = vector.load %arg2[%swap3A, %swap3A_6] : memref<10112x64xf32, #tpu.memory_space<vmem>>, vector<10112x64xf32>
    tpu.vector_store %arg2[%swap3A, %swap3A_6], %dot_general3A_5 {strides = array<i32>} : memref<10112x64xf32, #tpu.memory_space<vmem>>, vector<10112x64xf32>,
    return
  }
}

module attributes {stable_mosaic.version = 14 : i64} {
  func.func @_stage_a1(%arg0: memref<10112x64xf32, #tpu.memory_space<vmem>>, %arg1: memref<2x10112x8xf32, #tpu.memory_space<vmem>>, %arg2: memref<10112x64xf32, #tpu.memory_space<vmem>>, %arg3: memref<10112x1xf32, #tpu.memory_space<vmem>>) attributes {dimension_semantics = [], scalar_prefetch = 0 : i64, scratch_operands = 0 : i64, tpu.core_type = #tpu.core_type<tc>} {
    %get3A = arith.constant 0 : index
    %get3A_0 = arith.constant 0 : index
    %get3A_1 = arith.constant 0 : index
    %get3A_2 = vector.load %arg1[%get3A, %get3A_0, %get3A_1] : memref<2x10112x8xf32, #tpu.memory_space<vmem>>, vector<1x10112x8xf32>
    %get3A_3 = vector.shape_cast %get3A_2 : vector<1x10112x8xf32> to vector<10112x8xf32>
    %slice3A = vector.extract_strided_slice %get3A_3 {offsets = [0, 0], sizes = [10112, 1], strides = [1, 1]} : vector<10112x8xf32> to vector<10112x1xf32>
    %get3A_4 = arith.constant 1 : index
    %get3A_5 = arith.constant 0 : index
    %get3A_6 = arith.constant 0 : index
    %get3A_7 = vector.load %arg1[%get3A_4, %get3A_5, %get3A_6] : memref<2x10112x8xf32, #tpu.memory_space<vmem>>, vector<1x10112x8xf32>
    %get3A_8 = vector.shape_cast %get3A_7 : vector<1x10112x8xf32> to vector<10112x8xf32>
    %slice3A_9 = vector.extract_strided_slice %get3A_8 {offsets = [0, 0], sizes = [10112, 1], strides = [1, 1]} : vector<10112x8xf32> to vector<10112x1xf32>
    %add3A = arith.addf %slice3A, %slice3A_9 : vector<10112x1xf32>
    %iota3A = tpu.iota {dimensions = array<i32: 0>} : vector<10112x1xi32>
    %lt3A = arith.constant 10000 : i32
    %lt3A_10 = vector.broadcast %lt3A : i32 to vector<10112x1xi32>
    %lt3A_11 = arith.cmpi slt, %iota3A, %lt3A_10 : vector<10112x1xi32>
    %gt3A = arith.constant 0.000000e+00 : f32
    %gt3A_12 = vector.broadcast %gt3A : f32 to vector<10112x1xf32>
    %gt3A_13 = arith.cmpf ogt, %add3A, %gt3A_12 : vector<10112x1xf32>
    %and3A = arith.andi %lt3A_11, %gt3A_13 : vector<10112x1xi1>
    %max3A = arith.constant 9.99999968E-21 : f32
    %max3A_14 = vector.broadcast %max3A : f32 to vector<10112x1xf32>
    %max3A_15 = arith.maximumf %add3A, %max3A_14 : vector<10112x1xf32>
    %rsqrt3A = math.rsqrt %max3A_15 : vector<10112x1xf32>
    %jit3A = arith.constant 0.000000e+00 : f32
    %broadcast_in_dim3A = vector.broadcast %jit3A : f32 to vector<10112x1xf32>
    %select_n3A = arith.select %and3A, %rsqrt3A, %broadcast_in_dim3A : vector<10112x1xi1>, vector<10112x1xf32>
    %swap3A = arith.constant 0 : index
    %swap3A_16 = arith.constant 0 : index
    %swap3A_17 = vector.load %arg3[%swap3A, %swap3A_16] : memref<10112x1xf32, #tpu.memory_space<vmem>>, vector<10112x1xf32>
    tpu.vector_store %arg3[%swap3A, %swap3A_16], %select_n3A {strides = array<i32>} : memref<10112x1xf32, #tpu.memory_space<vmem>>, vector<10112x1xf32>,
    %get3A_18 = arith.constant 0 : index
    %get3A_19 = arith.constant 0 : index
    %get3A_20 = vector.load %arg0[%get3A_18, %get3A_19] : memref<10112x64xf32, #tpu.memory_space<vmem>>, vector<10112x64xf32>
    %mul3A = vector.broadcast %select_n3A : vector<10112x1xf32> to vector<10112x64xf32>
    %mul3A_21 = arith.mulf %get3A_20, %mul3A : vector<10112x64xf32>
    %swap3A_22 = arith.constant 0 : index
    %swap3A_23 = arith.constant 0 : index
    %swap3A_24 = vector.load %arg2[%swap3A_22, %swap3A_23] : memref<10112x64xf32, #tpu.memory_space<vmem>>, vector<10112x64xf32>
    tpu.vector_store %arg2[%swap3A_22, %swap3A_23], %mul3A_21 {strides = array<i32>} : memref<10112x64xf32, #tpu.memory_space<vmem>>, vector<10112x64xf32>,
    return
  }
}

module attributes {stable_mosaic.version = 14 : i64} {
  func.func @body(%arg0: memref<2x5056x128xf32, #tpu.memory_space<vmem>>, %arg1: memref<5056x128xf32, #tpu.memory_space<vmem>>, %arg2: memref<1x128xf32, #tpu.memory_space<vmem>>, %arg3: memref<1x128xf32, #tpu.memory_space<vmem>>, %arg4: memref<1x128xf32, #tpu.memory_space<vmem>>, %arg5: memref<128x128xf32, #tpu.memory_space<vmem>>, %arg6: memref<5056x128xf32, #tpu.memory_space<vmem>>) attributes {dimension_semantics = [], scalar_prefetch = 0 : i64, scratch_operands = 0 : i64, tpu.core_type = #tpu.core_type<tc>} {
    %get3A = arith.constant 0 : index
    %get3A_0 = arith.constant 0 : index
    %get3A_1 = vector.load %arg1[%get3A, %get3A_0] : memref<5056x128xf32, #tpu.memory_space<vmem>>, vector<5056x128xf32>
    %gt3A = arith.constant 0.000000e+00 : f32
    %gt3A_2 = vector.broadcast %gt3A : f32 to vector<5056x128xf32>
    %gt3A_3 = arith.cmpf ogt, %get3A_1, %gt3A_2 : vector<5056x128xf32>
    %convert_element_type3A = arith.extui %gt3A_3 : vector<5056x128xi1> to vector<5056x128xi32>
    %convert_element_type3A_4 = arith.sitofp %convert_element_type3A : vector<5056x128xi32> to vector<5056x128xf32>
    %get3A_5 = arith.constant 0 : index
    %get3A_6 = arith.constant 0 : index
    %get3A_7 = arith.constant 0 : index
    %get3A_8 = vector.load %arg0[%get3A_5, %get3A_6, %get3A_7] : memref<2x5056x128xf32, #tpu.memory_space<vmem>>, vector<1x5056x128xf32>
    %get3A_9 = vector.shape_cast %get3A_8 : vector<1x5056x128xf32> to vector<5056x128xf32>
    %get3A_10 = arith.constant 1 : index
    %get3A_11 = arith.constant 0 : index
    %get3A_12 = arith.constant 0 : index
    %get3A_13 = vector.load %arg0[%get3A_10, %get3A_11, %get3A_12] : memref<2x5056x128xf32, #tpu.memory_space<vmem>>, vector<1x5056x128xf32>
    %get3A_14 = vector.shape_cast %get3A_13 : vector<1x5056x128xf32> to vector<5056x128xf32>
    %add3A = arith.addf %get3A_9, %get3A_14 : vector<5056x128xf32>
    %mul3A = arith.mulf %add3A, %get3A_1 : vector<5056x128xf32>
    %get3A_15 = arith.constant 0 : index
    %get3A_16 = arith.constant 0 : index
    %get3A_17 = vector.load %arg2[%get3A_15, %get3A_16] : memref<1x128xf32, #tpu.memory_space<vmem>>, vector<1x128xf32>
    %add3A_18 = vector.broadcast %get3A_17 : vector<1x128xf32> to vector<5056x128xf32>
    %add3A_19 = arith.addf %mul3A, %add3A_18 : vector<5056x128xf32>
    %mul3A_20 = arith.mulf %add3A_19, %convert_element_type3A_4 : vector<5056x128xf32>
    %reduce_sum3A = arith.constant dense<0.000000e+00> : vector<128xf32>
    %reduce_sum3A_21 = vector.multi_reduction <add>, %mul3A_20, %reduce_sum3A [0] : vector<5056x128xf32> to vector<128xf32>
    %broadcast_in_dim3A = vector.shape_cast %reduce_sum3A_21 : vector<128xf32> to vector<1x128xf32>
    %slice3A = vector.extract_strided_slice %broadcast_in_dim3A {offsets = [0, 0], sizes = [1, 64], strides = [1, 1]} : vector<1x128xf32> to vector<1x64xf32>
    %slice3A_22 = vector.extract_strided_slice %broadcast_in_dim3A {offsets = [0, 64], sizes = [1, 64], strides = [1, 1]} : vector<1x128xf32> to vector<1x64xf32>
    %add3A_23 = arith.addf %slice3A, %slice3A_22 : vector<1x64xf32>
    %mul3A_24 = arith.constant 9.99999974E-5 : f32
    %mul3A_25 = vector.broadcast %mul3A_24 : f32 to vector<1x64xf32>
    %mul3A_26 = arith.mulf %add3A_23, %mul3A_25 : vector<1x64xf32>
    %concatenate3A = tpu.concatenate %mul3A_26, %mul3A_26 in 1 : vector<1x64xf32>, vector<1x64xf32> -> vector<1x128xf32>
    %sub3A = vector.broadcast %concatenate3A : vector<1x128xf32> to vector<5056x128xf32>
    %sub3A_27 = arith.subf %mul3A_20, %sub3A : vector<5056x128xf32>
    %mul3A_28 = arith.mulf %sub3A_27, %convert_element_type3A_4 : vector<5056x128xf32>
    %mul3A_29 = arith.mulf %mul3A_28, %mul3A_28 : vector<5056x128xf32>
    %reduce_sum3A_30 = arith.constant dense<0.000000e+00> : vector<128xf32>
    %reduce_sum3A_31 = vector.multi_reduction <add>, %mul3A_29, %reduce_sum3A_30 [0] : vector<5056x128xf32> to vector<128xf32>
    %broadcast_in_dim3A_32 = vector.shape_cast %reduce_sum3A_31 : vector<128xf32> to vector<1x128xf32>
    %slice3A_33 = vector.extract_strided_slice %broadcast_in_dim3A_32 {offsets = [0, 0], sizes = [1, 64], strides = [1, 1]} : vector<1x128xf32> to vector<1x64xf32>
    %slice3A_34 = vector.extract_strided_slice %broadcast_in_dim3A_32 {offsets = [0, 64], sizes = [1, 64], strides = [1, 1]} : vector<1x128xf32> to vector<1x64xf32>
    %add3A_35 = arith.addf %slice3A_33, %slice3A_34 : vector<1x64xf32>
    %mul3A_36 = arith.constant 9.99999974E-5 : f32
    %mul3A_37 = vector.broadcast %mul3A_36 : f32 to vector<1x64xf32>
    %mul3A_38 = arith.mulf %add3A_35, %mul3A_37 : vector<1x64xf32>
    %concatenate3A_39 = tpu.concatenate %mul3A_38, %mul3A_38 in 1 : vector<1x64xf32>, vector<1x64xf32> -> vector<1x128xf32>
    %sub3A_40 = vector.broadcast %concatenate3A : vector<1x128xf32> to vector<5056x128xf32>
    %sub3A_41 = arith.subf %mul3A_20, %sub3A_40 : vector<5056x128xf32>
    %add3A_42 = arith.constant 9.99999974E-6 : f32
    %add3A_43 = vector.broadcast %add3A_42 : f32 to vector<1x128xf32>
    %add3A_44 = arith.addf %concatenate3A_39, %add3A_43 : vector<1x128xf32>
    %rsqrt3A = math.rsqrt %add3A_44 : vector<1x128xf32>
    %mul3A_45 = vector.broadcast %rsqrt3A : vector<1x128xf32> to vector<5056x128xf32>
    %mul3A_46 = arith.mulf %sub3A_41, %mul3A_45 : vector<5056x128xf32>
    %get3A_47 = arith.constant 0 : index
    %get3A_48 = arith.constant 0 : index
    %get3A_49 = vector.load %arg3[%get3A_47, %get3A_48] : memref<1x128xf32, #tpu.memory_space<vmem>>, vector<1x128xf32>
    %mul3A_50 = vector.broadcast %get3A_49 : vector<1x128xf32> to vector<5056x128xf32>
    %mul3A_51 = arith.mulf %mul3A_46, %mul3A_50 : vector<5056x128xf32>
    %get3A_52 = arith.constant 0 : index
    %get3A_53 = arith.constant 0 : index
    %get3A_54 = vector.load %arg4[%get3A_52, %get3A_53] : memref<1x128xf32, #tpu.memory_space<vmem>>, vector<1x128xf32>
    %add3A_55 = vector.broadcast %get3A_54 : vector<1x128xf32> to vector<5056x128xf32>
    %add3A_56 = arith.addf %mul3A_51, %add3A_55 : vector<5056x128xf32>
    %max3A = arith.constant 0.000000e+00 : f32
    %max3A_57 = vector.broadcast %max3A : f32 to vector<5056x128xf32>
    %max3A_58 = arith.maximumf %add3A_56, %max3A_57 : vector<5056x128xf32>
    %mul3A_59 = arith.mulf %max3A_58, %convert_element_type3A_4 : vector<5056x128xf32>
    %get3A_60 = arith.constant 0 : index
    %get3A_61 = arith.constant 0 : index
    %get3A_62 = vector.load %arg5[%get3A_60, %get3A_61] : memref<128x128xf32, #tpu.memory_space<vmem>>, vector<128x128xf32>
    %dot_general3A = arith.constant dense<0.000000e+00> : vector<5056x128xf32>
    %dot_general3A_63 = tpu.matmul %mul3A_59, %get3A_62, %dot_general3A {dimension_numbers = #tpu.dot_dimension_numbers<[1], [0], [0], [1], [0, 0, 1, 1], [], []>, transpose_lhs_hint = false} : vector<5056x128xf32>, vector<128x128xf32>, vector<5056x128xf32> -> vector<5056x128xf32>
    %mul3A_64 = arith.mulf %dot_general3A_63, %get3A_1 : vector<5056x128xf32>
    %swap3A = arith.constant 0 : index
    %swap3A_65 = arith.constant 0 : index
    %swap3A_66 = vector.load %arg6[%swap3A, %swap3A_65] : memref<5056x128xf32, #tpu.memory_space<vmem>>, vector<5056x128xf32>
    tpu.vector_store %arg6[%swap3A, %swap3A_65], %mul3A_64 {strides = array<i32>} : memref<5056x128xf32, #tpu.memory_space<vmem>>, vector<5056x128xf32>,
    return
  }
}

module attributes {stable_mosaic.version = 14 : i64} {
  func.func @body(%arg0: memref<2x5056x128xf32, #tpu.memory_space<vmem>>, %arg1: memref<5056x128xf32, #tpu.memory_space<vmem>>, %arg2: memref<1x128xf32, #tpu.memory_space<vmem>>, %arg3: memref<1x128xf32, #tpu.memory_space<vmem>>, %arg4: memref<1x128xf32, #tpu.memory_space<vmem>>, %arg5: memref<128x64xf32, #tpu.memory_space<vmem>>, %arg6: memref<5056x64xf32, #tpu.memory_space<vmem>>) attributes {dimension_semantics = [], scalar_prefetch = 0 : i64, scratch_operands = 0 : i64, tpu.core_type = #tpu.core_type<tc>} {
    %get3A = arith.constant 0 : index
    %get3A_0 = arith.constant 0 : index
    %get3A_1 = vector.load %arg1[%get3A, %get3A_0] : memref<5056x128xf32, #tpu.memory_space<vmem>>, vector<5056x128xf32>
    %gt3A = arith.constant 0.000000e+00 : f32
    %gt3A_2 = vector.broadcast %gt3A : f32 to vector<5056x128xf32>
    %gt3A_3 = arith.cmpf ogt, %get3A_1, %gt3A_2 : vector<5056x128xf32>
    %convert_element_type3A = arith.extui %gt3A_3 : vector<5056x128xi1> to vector<5056x128xi32>
    %convert_element_type3A_4 = arith.sitofp %convert_element_type3A : vector<5056x128xi32> to vector<5056x128xf32>
    %get3A_5 = arith.constant 0 : index
    %get3A_6 = arith.constant 0 : index
    %get3A_7 = arith.constant 0 : index
    %get3A_8 = vector.load %arg0[%get3A_5, %get3A_6, %get3A_7] : memref<2x5056x128xf32, #tpu.memory_space<vmem>>, vector<1x5056x128xf32>
    %get3A_9 = vector.shape_cast %get3A_8 : vector<1x5056x128xf32> to vector<5056x128xf32>
    %get3A_10 = arith.constant 1 : index
    %get3A_11 = arith.constant 0 : index
    %get3A_12 = arith.constant 0 : index
    %get3A_13 = vector.load %arg0[%get3A_10, %get3A_11, %get3A_12] : memref<2x5056x128xf32, #tpu.memory_space<vmem>>, vector<1x5056x128xf32>
    %get3A_14 = vector.shape_cast %get3A_13 : vector<1x5056x128xf32> to vector<5056x128xf32>
    %add3A = arith.addf %get3A_9, %get3A_14 : vector<5056x128xf32>
    %mul3A = arith.mulf %add3A, %get3A_1 : vector<5056x128xf32>
    %get3A_15 = arith.constant 0 : index
    %get3A_16 = arith.constant 0 : index
    %get3A_17 = vector.load %arg2[%get3A_15, %get3A_16] : memref<1x128xf32, #tpu.memory_space<vmem>>, vector<1x128xf32>
    %add3A_18 = vector.broadcast %get3A_17 : vector<1x128xf32> to vector<5056x128xf32>
    %add3A_19 = arith.addf %mul3A, %add3A_18 : vector<5056x128xf32>
    %mul3A_20 = arith.mulf %add3A_19, %convert_element_type3A_4 : vector<5056x128xf32>
    %reduce_sum3A = arith.constant dense<0.000000e+00> : vector<128xf32>
    %reduce_sum3A_21 = vector.multi_reduction <add>, %mul3A_20, %reduce_sum3A [0] : vector<5056x128xf32> to vector<128xf32>
    %broadcast_in_dim3A = vector.shape_cast %reduce_sum3A_21 : vector<128xf32> to vector<1x128xf32>
    %slice3A = vector.extract_strided_slice %broadcast_in_dim3A {offsets = [0, 0], sizes = [1, 64], strides = [1, 1]} : vector<1x128xf32> to vector<1x64xf32>
    %slice3A_22 = vector.extract_strided_slice %broadcast_in_dim3A {offsets = [0, 64], sizes = [1, 64], strides = [1, 1]} : vector<1x128xf32> to vector<1x64xf32>
    %add3A_23 = arith.addf %slice3A, %slice3A_22 : vector<1x64xf32>
    %mul3A_24 = arith.constant 9.99999974E-5 : f32
    %mul3A_25 = vector.broadcast %mul3A_24 : f32 to vector<1x64xf32>
    %mul3A_26 = arith.mulf %add3A_23, %mul3A_25 : vector<1x64xf32>
    %concatenate3A = tpu.concatenate %mul3A_26, %mul3A_26 in 1 : vector<1x64xf32>, vector<1x64xf32> -> vector<1x128xf32>
    %sub3A = vector.broadcast %concatenate3A : vector<1x128xf32> to vector<5056x128xf32>
    %sub3A_27 = arith.subf %mul3A_20, %sub3A : vector<5056x128xf32>
    %mul3A_28 = arith.mulf %sub3A_27, %convert_element_type3A_4 : vector<5056x128xf32>
    %mul3A_29 = arith.mulf %mul3A_28, %mul3A_28 : vector<5056x128xf32>
    %reduce_sum3A_30 = arith.constant dense<0.000000e+00> : vector<128xf32>
    %reduce_sum3A_31 = vector.multi_reduction <add>, %mul3A_29, %reduce_sum3A_30 [0] : vector<5056x128xf32> to vector<128xf32>
    %broadcast_in_dim3A_32 = vector.shape_cast %reduce_sum3A_31 : vector<128xf32> to vector<1x128xf32>
    %slice3A_33 = vector.extract_strided_slice %broadcast_in_dim3A_32 {offsets = [0, 0], sizes = [1, 64], strides = [1, 1]} : vector<1x128xf32> to vector<1x64xf32>
    %slice3A_34 = vector.extract_strided_slice %broadcast_in_dim3A_32 {offsets = [0, 64], sizes = [1, 64], strides = [1, 1]} : vector<1x128xf32> to vector<1x64xf32>
    %add3A_35 = arith.addf %slice3A_33, %slice3A_34 : vector<1x64xf32>
    %mul3A_36 = arith.constant 9.99999974E-5 : f32
    %mul3A_37 = vector.broadcast %mul3A_36 : f32 to vector<1x64xf32>
    %mul3A_38 = arith.mulf %add3A_35, %mul3A_37 : vector<1x64xf32>
    %concatenate3A_39 = tpu.concatenate %mul3A_38, %mul3A_38 in 1 : vector<1x64xf32>, vector<1x64xf32> -> vector<1x128xf32>
    %sub3A_40 = vector.broadcast %concatenate3A : vector<1x128xf32> to vector<5056x128xf32>
    %sub3A_41 = arith.subf %mul3A_20, %sub3A_40 : vector<5056x128xf32>
    %add3A_42 = arith.constant 9.99999974E-6 : f32
    %add3A_43 = vector.broadcast %add3A_42 : f32 to vector<1x128xf32>
    %add3A_44 = arith.addf %concatenate3A_39, %add3A_43 : vector<1x128xf32>
    %rsqrt3A = math.rsqrt %add3A_44 : vector<1x128xf32>
    %mul3A_45 = vector.broadcast %rsqrt3A : vector<1x128xf32> to vector<5056x128xf32>
    %mul3A_46 = arith.mulf %sub3A_41, %mul3A_45 : vector<5056x128xf32>
    %get3A_47 = arith.constant 0 : index
    %get3A_48 = arith.constant 0 : index
    %get3A_49 = vector.load %arg3[%get3A_47, %get3A_48] : memref<1x128xf32, #tpu.memory_space<vmem>>, vector<1x128xf32>
    %mul3A_50 = vector.broadcast %get3A_49 : vector<1x128xf32> to vector<5056x128xf32>
    %mul3A_51 = arith.mulf %mul3A_46, %mul3A_50 : vector<5056x128xf32>
    %get3A_52 = arith.constant 0 : index
    %get3A_53 = arith.constant 0 : index
    %get3A_54 = vector.load %arg4[%get3A_52, %get3A_53] : memref<1x128xf32, #tpu.memory_space<vmem>>, vector<1x128xf32>
    %add3A_55 = vector.broadcast %get3A_54 : vector<1x128xf32> to vector<5056x128xf32>
    %add3A_56 = arith.addf %mul3A_51, %add3A_55 : vector<5056x128xf32>
    %max3A = arith.constant 0.000000e+00 : f32
    %max3A_57 = vector.broadcast %max3A : f32 to vector<5056x128xf32>
    %max3A_58 = arith.maximumf %add3A_56, %max3A_57 : vector<5056x128xf32>
    %mul3A_59 = arith.mulf %max3A_58, %convert_element_type3A_4 : vector<5056x128xf32>
    %get3A_60 = arith.constant 0 : index
    %get3A_61 = arith.constant 0 : index
    %get3A_62 = vector.load %arg5[%get3A_60, %get3A_61] : memref<128x64xf32, #tpu.memory_space<vmem>>, vector<128x64xf32>
    %dot_general3A = arith.constant dense<0.000000e+00> : vector<5056x64xf32>
    %dot_general3A_63 = tpu.matmul %mul3A_59, %get3A_62, %dot_general3A {dimension_numbers = #tpu.dot_dimension_numbers<[1], [0], [0], [1], [0, 0, 1, 1], [], []>, transpose_lhs_hint = false} : vector<5056x128xf32>, vector<128x64xf32>, vector<5056x64xf32> -> vector<5056x64xf32>
    %slice3A_64 = vector.extract_strided_slice %get3A_1 {offsets = [0, 0], sizes = [5056, 32], strides = [1, 1]} : vector<5056x128xf32> to vector<5056x32xf32>
    %slice3A_65 = vector.extract_strided_slice %get3A_1 {offsets = [0, 64], sizes = [5056, 32], strides = [1, 1]} : vector<5056x128xf32> to vector<5056x32xf32>
    %concatenate3A_66 = tpu.concatenate %slice3A_64, %slice3A_65 in 1 : vector<5056x32xf32>, vector<5056x32xf32> -> vector<5056x64xf32>
    %mul3A_67 = arith.mulf %dot_general3A_63, %concatenate3A_66 : vector<5056x64xf32>
    %swap3A = arith.constant 0 : index
    %swap3A_68 = arith.constant 0 : index
    %swap3A_69 = vector.load %arg6[%swap3A, %swap3A_68] : memref<5056x64xf32, #tpu.memory_space<vmem>>, vector<5056x64xf32>
    tpu.vector_store %arg6[%swap3A, %swap3A_68], %mul3A_67 {strides = array<i32>} : memref<5056x64xf32, #tpu.memory_space<vmem>>, vector<5056x64xf32>,
    return
  }
}

module attributes {stable_mosaic.version = 14 : i64} {
  func.func @_stage_c(%arg0: memref<2x2528x128xf32, #tpu.memory_space<vmem>>, %arg1: memref<2528x128xf32, #tpu.memory_space<vmem>>, %arg2: memref<1x128xf32, #tpu.memory_space<vmem>>, %arg3: memref<1x128xf32, #tpu.memory_space<vmem>>, %arg4: memref<1x128xf32, #tpu.memory_space<vmem>>, %arg5: memref<2528x128xi32, #tpu.memory_space<vmem>>, %arg6: memref<10112x1xi32, #tpu.memory_space<vmem>>, %arg7: memref<32x32xf32, #tpu.memory_space<vmem>>, %arg8: memref<32x32xf32, #tpu.memory_space<vmem>>, %arg9: memref<1x32xf32, #tpu.memory_space<vmem>>, %arg10: memref<32x2xf32, #tpu.memory_space<vmem>>, %arg11: memref<1x2xf32, #tpu.memory_space<vmem>>, %arg12: memref<64x2xf32, #tpu.memory_space<vmem>>, %arg13: memref<64x32xf32, #tpu.memory_space<vmem>>, %arg14: memref<64x32xf32, #tpu.memory_space<vmem>>) attributes {dimension_semantics = [], scalar_prefetch = 0 : i64, scratch_operands = 2 : i64, tpu.core_type = #tpu.core_type<tc>} {
    %get3A = arith.constant 0 : index
    %get3A_0 = arith.constant 0 : index
    %get3A_1 = vector.load %arg5[%get3A, %get3A_0] : memref<2528x128xi32, #tpu.memory_space<vmem>>, vector<2528x128xi32>
    %lt3A = arith.constant 64 : i32
    %lt3A_2 = vector.broadcast %lt3A : i32 to vector<2528x128xi32>
    %lt3A_3 = arith.cmpi slt, %get3A_1, %lt3A_2 : vector<2528x128xi32>
    %convert_element_type3A = arith.extui %lt3A_3 : vector<2528x128xi1> to vector<2528x128xi32>
    %convert_element_type3A_4 = arith.sitofp %convert_element_type3A : vector<2528x128xi32> to vector<2528x128xf32>
    %get3A_5 = arith.constant 0 : index
    %get3A_6 = arith.constant 0 : index
    %get3A_7 = arith.constant 0 : index
    %get3A_8 = vector.load %arg0[%get3A_5, %get3A_6, %get3A_7] : memref<2x2528x128xf32, #tpu.memory_space<vmem>>, vector<1x2528x128xf32>
    %get3A_9 = vector.shape_cast %get3A_8 : vector<1x2528x128xf32> to vector<2528x128xf32>
    %get3A_10 = arith.constant 1 : index
    %get3A_11 = arith.constant 0 : index
    %get3A_12 = arith.constant 0 : index
    %get3A_13 = vector.load %arg0[%get3A_10, %get3A_11, %get3A_12] : memref<2x2528x128xf32, #tpu.memory_space<vmem>>, vector<1x2528x128xf32>
    %get3A_14 = vector.shape_cast %get3A_13 : vector<1x2528x128xf32> to vector<2528x128xf32>
    %add3A = arith.addf %get3A_9, %get3A_14 : vector<2528x128xf32>
    %get3A_15 = arith.constant 0 : index
    %get3A_16 = arith.constant 0 : index
    %get3A_17 = vector.load %arg1[%get3A_15, %get3A_16] : memref<2528x128xf32, #tpu.memory_space<vmem>>, vector<2528x128xf32>
    %mul3A = arith.mulf %add3A, %get3A_17 : vector<2528x128xf32>
    %get3A_18 = arith.constant 0 : index
    %get3A_19 = arith.constant 0 : index
    %get3A_20 = vector.load %arg2[%get3A_18, %get3A_19] : memref<1x128xf32, #tpu.memory_space<vmem>>, vector<1x128xf32>
    %add3A_21 = vector.broadcast %get3A_20 : vector<1x128xf32> to vector<2528x128xf32>
    %add3A_22 = arith.addf %mul3A, %add3A_21 : vector<2528x128xf32>
    %mul3A_23 = arith.mulf %add3A_22, %convert_element_type3A_4 : vector<2528x128xf32>
    %reduce_sum3A = arith.constant dense<0.000000e+00> : vector<128xf32>
    %reduce_sum3A_24 = vector.multi_reduction <add>, %mul3A_23, %reduce_sum3A [0] : vector<2528x128xf32> to vector<128xf32>
    %broadcast_in_dim3A = vector.shape_cast %reduce_sum3A_24 : vector<128xf32> to vector<1x128xf32>
    %slice3A = vector.extract_strided_slice %broadcast_in_dim3A {offsets = [0, 0], sizes = [1, 32], strides = [1, 1]} : vector<1x128xf32> to vector<1x32xf32>
    %slice3A_25 = vector.extract_strided_slice %broadcast_in_dim3A {offsets = [0, 32], sizes = [1, 32], strides = [1, 1]} : vector<1x128xf32> to vector<1x32xf32>
    %add3A_26 = arith.addf %slice3A, %slice3A_25 : vector<1x32xf32>
    %slice3A_27 = vector.extract_strided_slice %broadcast_in_dim3A {offsets = [0, 64], sizes = [1, 32], strides = [1, 1]} : vector<1x128xf32> to vector<1x32xf32>
    %slice3A_28 = vector.extract_strided_slice %broadcast_in_dim3A {offsets = [0, 96], sizes = [1, 32], strides = [1, 1]} : vector<1x128xf32> to vector<1x32xf32>
    %add3A_29 = arith.addf %slice3A_27, %slice3A_28 : vector<1x32xf32>
    %add3A_30 = arith.addf %add3A_26, %add3A_29 : vector<1x32xf32>
    %mul3A_31 = arith.constant 9.99999974E-5 : f32
    %mul3A_32 = vector.broadcast %mul3A_31 : f32 to vector<1x32xf32>
    %mul3A_33 = arith.mulf %add3A_30, %mul3A_32 : vector<1x32xf32>
    %concatenate3A = tpu.concatenate %mul3A_33, %mul3A_33, %mul3A_33, %mul3A_33 in 1 : vector<1x32xf32>, vector<1x32xf32>, vector<1x32xf32>, vector<1x32xf32> -> vector<1x128xf32>
    %sub3A = vector.broadcast %concatenate3A : vector<1x128xf32> to vector<2528x128xf32>
    %sub3A_34 = arith.subf %mul3A_23, %sub3A : vector<2528x128xf32>
    %mul3A_35 = arith.mulf %sub3A_34, %convert_element_type3A_4 : vector<2528x128xf32>
    %mul3A_36 = arith.mulf %mul3A_35, %mul3A_35 : vector<2528x128xf32>
    %reduce_sum3A_37 = arith.constant dense<0.000000e+00> : vector<128xf32>
    %reduce_sum3A_38 = vector.multi_reduction <add>, %mul3A_36, %reduce_sum3A_37 [0] : vector<2528x128xf32> to vector<128xf32>
    %broadcast_in_dim3A_39 = vector.shape_cast %reduce_sum3A_38 : vector<128xf32> to vector<1x128xf32>
    %slice3A_40 = vector.extract_strided_slice %broadcast_in_dim3A_39 {offsets = [0, 0], sizes = [1, 32], strides = [1, 1]} : vector<1x128xf32> to vector<1x32xf32>
    %slice3A_41 = vector.extract_strided_slice %broadcast_in_dim3A_39 {offsets = [0, 32], sizes = [1, 32], strides = [1, 1]} : vector<1x128xf32> to vector<1x32xf32>
    %add3A_42 = arith.addf %slice3A_40, %slice3A_41 : vector<1x32xf32>
    %slice3A_43 = vector.extract_strided_slice %broadcast_in_dim3A_39 {offsets = [0, 64], sizes = [1, 32], strides = [1, 1]} : vector<1x128xf32> to vector<1x32xf32>
    %slice3A_44 = vector.extract_strided_slice %broadcast_in_dim3A_39 {offsets = [0, 96], sizes = [1, 32], strides = [1, 1]} : vector<1x128xf32> to vector<1x32xf32>
    %add3A_45 = arith.addf %slice3A_43, %slice3A_44 : vector<1x32xf32>
    %add3A_46 = arith.addf %add3A_42, %add3A_45 : vector<1x32xf32>
    %mul3A_47 = arith.constant 9.99999974E-5 : f32
    %mul3A_48 = vector.broadcast %mul3A_47 : f32 to vector<1x32xf32>
    %mul3A_49 = arith.mulf %add3A_46, %mul3A_48 : vector<1x32xf32>
    %concatenate3A_50 = tpu.concatenate %mul3A_49, %mul3A_49, %mul3A_49, %mul3A_49 in 1 : vector<1x32xf32>, vector<1x32xf32>, vector<1x32xf32>, vector<1x32xf32> -> vector<1x128xf32>
    %sub3A_51 = vector.broadcast %concatenate3A : vector<1x128xf32> to vector<2528x128xf32>
    %sub3A_52 = arith.subf %mul3A_23, %sub3A_51 : vector<2528x128xf32>
    %add3A_53 = arith.constant 9.99999974E-6 : f32
    %add3A_54 = vector.broadcast %add3A_53 : f32 to vector<1x128xf32>
    %add3A_55 = arith.addf %concatenate3A_50, %add3A_54 : vector<1x128xf32>
    %rsqrt3A = math.rsqrt %add3A_55 : vector<1x128xf32>
    %mul3A_56 = vector.broadcast %rsqrt3A : vector<1x128xf32> to vector<2528x128xf32>
    %mul3A_57 = arith.mulf %sub3A_52, %mul3A_56 : vector<2528x128xf32>
    %get3A_58 = arith.constant 0 : index
    %get3A_59 = arith.constant 0 : index
    %get3A_60 = vector.load %arg3[%get3A_58, %get3A_59] : memref<1x128xf32, #tpu.memory_space<vmem>>, vector<1x128xf32>
    %mul3A_61 = vector.broadcast %get3A_60 : vector<1x128xf32> to vector<2528x128xf32>
    %mul3A_62 = arith.mulf %mul3A_57, %mul3A_61 : vector<2528x128xf32>
    %get3A_63 = arith.constant 0 : index
    %get3A_64 = arith.constant 0 : index
    %get3A_65 = vector.load %arg4[%get3A_63, %get3A_64] : memref<1x128xf32, #tpu.memory_space<vmem>>, vector<1x128xf32>
    %add3A_66 = vector.broadcast %get3A_65 : vector<1x128xf32> to vector<2528x128xf32>
    %add3A_67 = arith.addf %mul3A_62, %add3A_66 : vector<2528x128xf32>
    %max3A = arith.constant 0.000000e+00 : f32
    %max3A_68 = vector.broadcast %max3A : f32 to vector<2528x128xf32>
    %max3A_69 = arith.maximumf %add3A_67, %max3A_68 : vector<2528x128xf32>
    %mul3A_70 = arith.mulf %max3A_69, %convert_element_type3A_4 : vector<2528x128xf32>
    %get3A_71 = arith.constant 0 : index
    %get3A_72 = arith.constant 0 : index
    %get3A_73 = vector.load %arg6[%get3A_71, %get3A_72] : memref<10112x1xi32, #tpu.memory_space<vmem>>, vector<10112x1xi32>
    %iota3A = tpu.iota {dimensions = array<i32: 1>} : vector<1x64xi32>
    %eq3A = vector.broadcast %get3A_73 : vector<10112x1xi32> to vector<10112x64xi32>
    %eq3A_74 = vector.broadcast %iota3A : vector<1x64xi32> to vector<10112x64xi32>
    %eq3A_75 = arith.cmpi eq, %eq3A, %eq3A_74 : vector<10112x64xi32>
    %convert_element_type3A_76 = arith.extui %eq3A_75 : vector<10112x64xi1> to vector<10112x64xi32>
    %convert_element_type3A_77 = arith.sitofp %convert_element_type3A_76 : vector<10112x64xi32> to vector<10112x64xf32>
    %lt3A_78 = arith.constant 64 : i32
    %lt3A_79 = vector.broadcast %lt3A_78 : i32 to vector<10112x1xi32>
    %lt3A_80 = arith.cmpi slt, %get3A_73, %lt3A_79 : vector<10112x1xi32>
    %convert_element_type3A_81 = arith.extui %lt3A_80 : vector<10112x1xi1> to vector<10112x1xi32>
    %convert_element_type3A_82 = arith.sitofp %convert_element_type3A_81 : vector<10112x1xi32> to vector<10112x1xf32>
    %dot_general3A = arith.constant dense<0.000000e+00> : vector<64x1xf32>
    %dot_general3A_83 = tpu.matmul %convert_element_type3A_77, %convert_element_type3A_82, %dot_general3A {dimension_numbers = #tpu.dot_dimension_numbers<[0], [0], [1], [1], [0, 1, 1, 1], [], []>, transpose_lhs_hint = false} : vector<10112x64xf32>, vector<10112x1xf32>, vector<64x1xf32> -> vector<64x1xf32>
    %scan3A = arith.constant 0 : i32
    %scan3A_84 = arith.constant 64 : i32
    %scan3A_85 = arith.addi %scan3A, %scan3A_84 : i32
    %scan3A_86 = arith.constant 1 : i32
    scf.for %scan3A_129 = %scan3A to %scan3A_85 step %scan3A_86  : i32 {
      %eq3A_130 = vector.broadcast %scan3A_129 : i32 to vector<2528x128xi32>
      %eq3A_131 = arith.cmpi eq, %get3A_1, %eq3A_130 : vector<2528x128xi32>
      %jit3A = arith.constant 0.000000e+00 : f32
      %broadcast_in_dim3A_132 = vector.broadcast %jit3A : f32 to vector<2528x128xf32>
      %select_n3A = arith.select %eq3A_131, %mul3A_70, %broadcast_in_dim3A_132 : vector<2528x128xi1>, vector<2528x128xf32>
      %reduce_sum3A_133 = arith.constant dense<0.000000e+00> : vector<128xf32>
      %reduce_sum3A_134 = vector.multi_reduction <add>, %select_n3A, %reduce_sum3A_133 [0] : vector<2528x128xf32> to vector<128xf32>
      %broadcast_in_dim3A_135 = vector.shape_cast %reduce_sum3A_134 : vector<128xf32> to vector<1x128xf32>
      %reduce_max3A = arith.constant dense<0xFF800000> : vector<128xf32>
      %reduce_max3A_136 = vector.multi_reduction <maximumf>, %select_n3A, %reduce_max3A [0] : vector<2528x128xf32> to vector<128xf32>
      %broadcast_in_dim3A_137 = vector.shape_cast %reduce_max3A_136 : vector<128xf32> to vector<1x128xf32>
      %slice3A_138 = vector.extract_strided_slice %broadcast_in_dim3A_135 {offsets = [0, 0], sizes = [1, 32], strides = [1, 1]} : vector<1x128xf32> to vector<1x32xf32>
      %slice3A_139 = vector.extract_strided_slice %broadcast_in_dim3A_135 {offsets = [0, 32], sizes = [1, 32], strides = [1, 1]} : vector<1x128xf32> to vector<1x32xf32>
      %add3A_140 = arith.addf %slice3A_138, %slice3A_139 : vector<1x32xf32>
      %slice3A_141 = vector.extract_strided_slice %broadcast_in_dim3A_135 {offsets = [0, 64], sizes = [1, 32], strides = [1, 1]} : vector<1x128xf32> to vector<1x32xf32>
      %slice3A_142 = vector.extract_strided_slice %broadcast_in_dim3A_135 {offsets = [0, 96], sizes = [1, 32], strides = [1, 1]} : vector<1x128xf32> to vector<1x32xf32>
      %add3A_143 = arith.addf %slice3A_141, %slice3A_142 : vector<1x32xf32>
      %add3A_144 = arith.addf %add3A_140, %add3A_143 : vector<1x32xf32>
      %swap3A_145 = arith.index_cast %scan3A_129 : i32 to index
      %swap3A_146 = arith.constant 0 : index
      %swap3A_147 = vector.load %arg13[%swap3A_145, %swap3A_146] : memref<64x32xf32, #tpu.memory_space<vmem>>, vector<1x32xf32>
      tpu.vector_store %arg13[%swap3A_145, %swap3A_146], %add3A_144 {strides = array<i32>} : memref<64x32xf32, #tpu.memory_space<vmem>>, vector<1x32xf32>,
      %slice3A_148 = vector.extract_strided_slice %broadcast_in_dim3A_137 {offsets = [0, 0], sizes = [1, 32], strides = [1, 1]} : vector<1x128xf32> to vector<1x32xf32>
      %slice3A_149 = vector.extract_strided_slice %broadcast_in_dim3A_137 {offsets = [0, 32], sizes = [1, 32], strides = [1, 1]} : vector<1x128xf32> to vector<1x32xf32>
      %max3A_150 = arith.maximumf %slice3A_148, %slice3A_149 : vector<1x32xf32>
      %slice3A_151 = vector.extract_strided_slice %broadcast_in_dim3A_137 {offsets = [0, 64], sizes = [1, 32], strides = [1, 1]} : vector<1x128xf32> to vector<1x32xf32>
      %slice3A_152 = vector.extract_strided_slice %broadcast_in_dim3A_137 {offsets = [0, 96], sizes = [1, 32], strides = [1, 1]} : vector<1x128xf32> to vector<1x32xf32>
      %max3A_153 = arith.maximumf %slice3A_151, %slice3A_152 : vector<1x32xf32>
      %max3A_154 = arith.maximumf %max3A_150, %max3A_153 : vector<1x32xf32>
      %swap3A_155 = arith.index_cast %scan3A_129 : i32 to index
      %swap3A_156 = arith.constant 0 : index
      %swap3A_157 = vector.load %arg14[%swap3A_155, %swap3A_156] : memref<64x32xf32, #tpu.memory_space<vmem>>, vector<1x32xf32>
      tpu.vector_store %arg14[%swap3A_155, %swap3A_156], %max3A_154 {strides = array<i32>} : memref<64x32xf32, #tpu.memory_space<vmem>>, vector<1x32xf32>,
    }
    %scan3A_87 = arith.constant 64 : i32
    %get3A_88 = arith.constant 0 : index
    %get3A_89 = arith.constant 0 : index
    %get3A_90 = vector.load %arg13[%get3A_88, %get3A_89] : memref<64x32xf32, #tpu.memory_space<vmem>>, vector<64x32xf32>
    %max3A_91 = arith.constant 1.000000e+00 : f32
    %max3A_92 = vector.broadcast %max3A_91 : f32 to vector<64x1xf32>
    %max3A_93 = arith.maximumf %dot_general3A_83, %max3A_92 : vector<64x1xf32>
    %div3A = vector.broadcast %max3A_93 : vector<64x1xf32> to vector<64x32xf32>
    %div3A_94 = arith.divf %get3A_90, %div3A : vector<64x32xf32>
    %get3A_95 = arith.constant 0 : index
    %get3A_96 = arith.constant 0 : index
    %get3A_97 = vector.load %arg14[%get3A_95, %get3A_96] : memref<64x32xf32, #tpu.memory_space<vmem>>, vector<64x32xf32>
    %get3A_98 = arith.constant 0 : index
    %get3A_99 = arith.constant 0 : index
    %get3A_100 = vector.load %arg7[%get3A_98, %get3A_99] : memref<32x32xf32, #tpu.memory_space<vmem>>, vector<32x32xf32>
    %dot_general3A_101 = arith.constant dense<0.000000e+00> : vector<64x32xf32>
    %dot_general3A_102 = tpu.matmul %div3A_94, %get3A_100, %dot_general3A_101 {dimension_numbers = #tpu.dot_dimension_numbers<[1], [0], [0], [1], [0, 0, 1, 1], [], []>, transpose_lhs_hint = false} : vector<64x32xf32>, vector<32x32xf32>, vector<64x32xf32> -> vector<64x32xf32>
    %get3A_103 = arith.constant 0 : index
    %get3A_104 = arith.constant 0 : index
    %get3A_105 = vector.load %arg8[%get3A_103, %get3A_104] : memref<32x32xf32, #tpu.memory_space<vmem>>, vector<32x32xf32>
    %dot_general3A_106 = arith.constant dense<0.000000e+00> : vector<64x32xf32>
    %dot_general3A_107 = tpu.matmul %get3A_97, %get3A_105, %dot_general3A_106 {dimension_numbers = #tpu.dot_dimension_numbers<[1], [0], [0], [1], [0, 0, 1, 1], [], []>, transpose_lhs_hint = false} : vector<64x32xf32>, vector<32x32xf32>, vector<64x32xf32> -> vector<64x32xf32>
    %add3A_108 = arith.addf %dot_general3A_102, %dot_general3A_107 : vector<64x32xf32>
    %get3A_109 = arith.constant 0 : index
    %get3A_110 = arith.constant 0 : index
    %get3A_111 = vector.load %arg9[%get3A_109, %get3A_110] : memref<1x32xf32, #tpu.memory_space<vmem>>, vector<1x32xf32>
    %add3A_112 = vector.broadcast %get3A_111 : vector<1x32xf32> to vector<64x32xf32>
    %add3A_113 = arith.addf %add3A_108, %add3A_112 : vector<64x32xf32>
    %max3A_114 = arith.constant 0.000000e+00 : f32
    %max3A_115 = vector.broadcast %max3A_114 : f32 to vector<64x32xf32>
    %max3A_116 = arith.maximumf %add3A_113, %max3A_115 : vector<64x32xf32>
    %get3A_117 = arith.constant 0 : index
    %get3A_118 = arith.constant 0 : index
    %get3A_119 = vector.load %arg10[%get3A_117, %get3A_118] : memref<32x2xf32, #tpu.memory_space<vmem>>, vector<32x2xf32>
    %dot_general3A_120 = arith.constant dense<0.000000e+00> : vector<64x2xf32>
    %dot_general3A_121 = tpu.matmul %max3A_116, %get3A_119, %dot_general3A_120 {dimension_numbers = #tpu.dot_dimension_numbers<[1], [0], [0], [1], [0, 0, 1, 1], [], []>, transpose_lhs_hint = false} : vector<64x32xf32>, vector<32x2xf32>, vector<64x2xf32> -> vector<64x2xf32>
    %get3A_122 = arith.constant 0 : index
    %get3A_123 = arith.constant 0 : index
    %get3A_124 = vector.load %arg11[%get3A_122, %get3A_123] : memref<1x2xf32, #tpu.memory_space<vmem>>, vector<1x2xf32>
    %add3A_125 = vector.broadcast %get3A_124 : vector<1x2xf32> to vector<64x2xf32>
    %add3A_126 = arith.addf %dot_general3A_121, %add3A_125 : vector<64x2xf32>
    %swap3A = arith.constant 0 : index
    %swap3A_127 = arith.constant 0 : index
    %swap3A_128 = vector.load %arg12[%swap3A, %swap3A_127] : memref<64x2xf32, #tpu.memory_space<vmem>>, vector<64x2xf32>
    tpu.vector_store %arg12[%swap3A, %swap3A_127], %add3A_126 {strides = array<i32>} : memref<64x2xf32, #tpu.memory_space<vmem>>, vector<64x2xf32>,
    return
  }
}

</mosaic_0001>

<sc_bundles>
// kernel: kernel.11.cloned.1.call-start
scs
__scs_entry_jumppad:
0x0: {  	(pc) =	sbr.rel $0x88, $3  }
0x1: {  	(tag) =	ssettag $0x0;
	lr =	simm.s32 $0x1  }
0x2: {  	[smem:$0x3F8E] =	sst lr;
	_ =	strace $0xD0000000  }
0x3: {  	_ = 	snop  }
0x4: {  	_ = 	snop  }
0x5: {  	_ = 	snop  }
0x6: {  	_ = 	snop  }
0x7: {  	_ = 	snop  }
__scs_overlays_trampoline_lowered:
0x8: {  	[smem:$0x3F9D] =	sst s0  }
0x9: {  	[smem:$0x3F9E] =	sst s1  }
0xa: {  	[smem:$0x3F9F] =	sst s2  }
0xb: {  	[smem:$0x3FA0] =	sst s3  }
0xc: {  	[smem:$0x3FA1] =	sst s4  }
0xd: {  	[smem:$0x3FA2] =	sst s5  }
0xe: {  	[smem:$0x3FA3] =	sst s6  }
0xf: {  	[smem:$0x3FA4] =	sst s7  }
0x10: {  	[smem:$0x3FA5] =	sst s8  }
0x11: {  	[smem:$0x3FA6] =	sst s9;
	s0 =	simm.s32 @!p0 $0x0  }
0x12: {  	s1 =	sld [smem:$0x3F8C];
	s0 =	simm.s32 @p0 $0x1  }
0x13: {  	[smem:$0x3FA7] =	sst s0;
	s0 =	simm.s32 @!p1 $0x0  }
0x14: {  	s2 =	sld [smem:$0x3F8B];
	s0 =	simm.s32 @p1 $0x1  }
0x15: {  	[smem:$0x3FA8] =	sst s0;
	s0 =	simm.s32 @!p2 $0x0  }
0x16: {  	s3 =	sld [smem:$0x3FDB];
	s0 =	simm.s32 @p2 $0x1  }
0x17: {  	s4 =	simm.s32 $0x1BF5;
	[smem:$0x3FAA] =	sst s0  }
0x18: {  	s0 =	sld [smem:$0x3F8D];
	_ =	swait.ge [sflag:s4], $0x0  }
0x19: {  	s7 =	sld [smem:$0x3F8E]  }
0x1a: {  	s8 =	sadd.s32 $0xFFFFE003, lr  }
0x1b: {  	s9 =	sadd.s32 $0xFFFFFEF7, lr;
	s5 =	simm.s32 $0xFFFFFFFF;
	p2 =	slt.u32 s8, $0xFFFFF086  }
0x1c: {  	p1 =	slt.u32 s9, $0xF7A;
	s5 =	simm.s32 @!p2 $0x0  }
0x1d: {  	s5 =	simm.s32 @p1 $0x1;
	p0 =	seq.s32 s7, s2  }
0x1e: {  	s7 =	smul.u32 @!p0 $0xF7A, s2;
	p2 =	seq.s32 @!p0 s5, $0x0  }
0x1f: {  	s9 =	smul.u32 $0xF7A, s1;
	s8 =	simm.s32 @!p0 $0x1BF5;
	p2 =	por !p2, p0  }
0x20: {  	[sflag:s8] =	ssyncset.s32 @!p0 $0xFFFFF086;
	s6 =	sadd.s32 @!p0 s3, s7;
	s7 =	simm.s32 @!p0 $0x108  }
0x21: {  	s3 =	sadd.s32 s3, s9;
	s6 =	sadd.s32 @!p0 $0x88, s6;
	s7 =	simm.s32 @p2 $0x1082  }
0x22: {  	[simem:s7], [sflag:s8] =	dma.local @!p0 [hbm:s6], $0xF7A  }
0x23: {  	s9 =	sor.u32 $0xD0000000, s2;
	s6 =	simm.s32 $0x108;
	_ =	swait.ge @!p0 [sflag:s8], $0x0  }
0x24: {  	s3 =	sadd.s32 $0x88, s3;
	s6 =	simm.s32 @!p1 $0x1082;
	[sflag:s4] =	ssyncset.s32 $0xFFFFF086  }
0x25: {  	[simem:s6], [sflag:s4] =	dma.local [hbm:s3], $0xF7A  }
0x26: {  	[smem:$0x3F8E] =	sst s1;
	(tag) =	ssettag s2;
	_ =	strace s9  }
0x27: {  	s1 =	sld [smem:$0x3F9E]  }
0x28: {  	s2 =	sld [smem:$0x3F9F]  }
0x29: {  	s4 =	sld [smem:$0x3FA1]  }
0x2a: {  	p0 =	seq.s32 s5, $0x0;
	s5 =	sld [smem:$0x3FA2]  }
0x2b: {  	s6 =	sld [smem:$0x3FA3]  }
0x2c: {  	s7 =	sld [smem:$0x3FA4]  }
0x2d: {  	s3 =	simm.s32 $0x108;
	s8 =	sld [smem:$0x3FA5]  }
0x2e: {  	s3 =	simm.s32 @!p0 $0x1082;
	s9 =	sld [smem:$0x3FA6]  }
0x2f: {  	lr =	sadd.s32 s0, s3;
	s0 =	sld [smem:$0x3F9D]  }
0x30: {  	s3 =	sld [smem:$0x3FA0]  }
0x31: {  	[smem:$0x3FA9] =	sst s10  }
0x32: {  	s10 =	sld [smem:$0x3FA7];
	_ =	sdelay $0x3  }
0x33: {  	p0 =	seq.s32 s10, $0x1;
	s10 =	sld [smem:$0x3FA9];
	_ =	sdelay $0x3  }
0x34: {  	[smem:$0x3FA9] =	sst s10  }
0x35: {  	s10 =	sld [smem:$0x3FA8];
	_ =	sdelay $0x3  }
0x36: {  	p1 =	seq.s32 s10, $0x1;
	s10 =	sld [smem:$0x3FA9];
	_ =	sdelay $0x3  }
0x37: {  	[smem:$0x3FA9] =	sst s10  }
0x38: {  	s10 =	sld [smem:$0x3FAA]  }
0x39: {  	_ = 	snop;
	(pc) =	sbr.ind lr, $3  }
0x3a: {  	_ = 	snop  }
0x3b: {  	_ = 	snop  }
0x3c: {  	p2 =	seq.s32 s10, $0x1;
	s10 =	sld [smem:$0x3FA9]  }
0x3d: {  	_ =	shalt  }
0x3e: {  	_ =	shalt  }
0x3f: {  	_ =	shalt  }
0x40: {  	_ =	shalt  }
0x41: {  	_ =	shalt  }
0x42: {  	_ =	shalt  }
0x43: {  	_ =	shalt  }
0x44: {  	_ =	shalt  }
0x45: {  	_ =	shalt  }
0x46: {  	_ =	shalt  }
0x47: {  	_ =	shalt  }
0x48: {  	_ =	shalt  }
0x49: {  	_ =	shalt  }
0x4a: {  	_ =	shalt  }
0x4b: {  	_ =	shalt  }
0x4c: {  	_ =	shalt  }
0x4d: {  	_ =	shalt  }
0x4e: {  	_ =	shalt  }
0x4f: {  	_ =	shalt  }
0x50: {  	_ =	shalt  }
0x51: {  	_ =	shalt  }
0x52: {  	_ =	shalt  }
0x53: {  	_ =	shalt  }
0x54: {  	_ =	shalt  }
0x55: {  	_ =	shalt  }
0x56: {  	_ =	shalt  }
0x57: {  	_ =	shalt  }
0x58: {  	_ =	shalt  }
0x59: {  	_ =	shalt  }
0x5a: {  	_ =	shalt  }
0x5b: {  	_ =	shalt  }
0x5c: {  	_ =	shalt  }
0x5d: {  	_ =	shalt  }
0x5e: {  	_ =	shalt  }
0x5f: {  	_ =	shalt  }
0x60: {  	_ =	shalt  }
0x61: {  	_ =	shalt  }
0x62: {  	_ =	shalt  }
0x63: {  	_ =	shalt  }
0x64: {  	_ =	shalt  }
0x65: {  	_ =	shalt  }
0x66: {  	_ =	shalt  }
0x67: {  	_ =	shalt  }
0x68: {  	_ =	shalt  }
0x69: {  	_ =	shalt  }
0x6a: {  	_ =	shalt  }
0x6b: {  	_ =	shalt  }
0x6c: {  	_ =	shalt  }
0x6d: {  	_ =	shalt  }
0x6e: {  	_ =	shalt  }
0x6f: {  	_ =	shalt  }
0x70: {  	_ =	shalt  }
0x71: {  	_ =	shalt  }
0x72: {  	_ =	shalt  }
0x73: {  	_ =	shalt  }
0x74: {  	_ =	shalt  }
0x75: {  	_ =	shalt  }
0x76: {  	_ =	shalt  }
0x77: {  	_ =	shalt  }
0x78: {  	_ =	shalt  }
0x79: {  	_ =	shalt  }
0x7a: {  	_ =	shalt  }
0x7b: {  	_ =	shalt  }
0x7c: {  	_ =	shalt  }
0x7d: {  	_ =	shalt  }
0x7e: {  	_ =	shalt  }
0x7f: {  	_ =	shalt  }
0x80: {  	_ =	shalt  }
0x81: {  	_ =	shalt  }
0x82: {  	_ =	shalt  }
0x83: {  	_ =	shalt  }
0x84: {  	_ =	shalt  }
0x85: {  	_ =	shalt  }
0x86: {  	_ =	shalt  }
0x87: {  	_ =	shalt  }
.Lfunc_end0:
.L_simem_size_0:
called_computation_lowered:
.L_overlay_start_0:
0x88: {  	s2 =	sld [smem:$0x3FD9]  }
0x89: {  	s3 =	sld [smem:$0x3FFE];
	_ =	sdelay $0x1  }
0x8a: {  	s1 =	srdreg.scid  }
0x8b: {  	s0 =	sand.u32 $0x1, s1  }
0x8c: {  	s16 =	sshll.u32 s0, $0xA;
	s2 =	sadd.s32 s3, s2  }
0x8d: {  	s2 =	sadd.s32 s2, s16  }
0x8e: {  	[smem:$0x3FB5] =	sst s2  }
0x8f: {  	_ = 	snop  }
0x90: {  	(tm) =	ssettm $0x1  }
0x91: {  	s17 =	sld [smem:$0x3FFB];
	_ =	sdelay $0x3  }
0x92: {  	_ =	strace s17  }
0x93: {  	s2 =	sld [smem:$0x3FFC];
	_ =	sdelay $0x3  }
0x94: {  	_ =	strace s2  }
0x95: {  	s2 =	sld [smem:$0x3FFD];
	_ =	sdelay $0x3  }
0x96: {  	_ =	strace s2  }
0x97: {  	_ =	strace $0x8FFFFFFF  }
0x98: {  	s18 =	sld [smem:$0x3FDB];
	_ =	sdelay $0x1  }
0x99: {  	s19 =	simm.s32 $_scs_section_size  }
0x9a: {  	s4 =	simm.s32 $_size__tile_overlayer_lowered;
	s5 =	simm.s32 $_tile_overlayer_lowered  }
0x9b: {  	s22 =	simm.s32 $0x1BFF;
	s21 =	sshll.u32 s5, $0x1;
	s2 =	sadd.s32 s19, s18  }
0x9c: {  	s6 =	simm.s32 $0x0;
	s20 =	sshll.u32 s4, $0x1;
	s4 =	sadd.s32 s21, s2  }
0x9d: {  	[timem:s6], [sflag:s22] =	dma.local [hbm:s4], s20  }
0x9e: {  	_ =	swait.ge [sflag:s22], s20  }
0x9f: {  	s3 =	ssub.s32 $0x0, s20;
	[sflag:s22] =	ssyncset.done $0x0  }
0xa0: {  	[sflag:s22] =	ssyncadd.s32 s3;
	_ =	sdelay $0x1  }
0xa1: {  	s23 =	simm.s32 $0x1B8B  }
0xa2: {  	_ =	swait.ge [sflag:s23], $0x1  }
0xa3: {  	[sflag:s23] =	ssyncset.done $0x0  }
0xa4: {  	s25 =	simm.s32 $0x1B8E;
	s24 =	sld [smem:$0x3FFE];
	[sflag:s23] =	ssyncadd.s32 $0xFFFFFFFF  }
0xa5: {  	s26 =	simm.s32 $execute0_lowered;
	[smem:$0x3FD2] =	sst s25  }
0xa6: {  	s4 =	sshll.u32 s26, $0x1;
	_ =	strace $0x80000046;
	[dreg:$0x1] =	wrdreg $0xFFFFFFFF  }
0xa7: {  	s28 =	simm.s32 $_size_execute0_lowered;
	s2 =	sadd.s32 s2, s4;
	[dreg:$0x0] =	wrdreg $0x0  }
0xa8: {  	s4 =	sshll.u32 s28, $0x1;
	[dreg:$0x2] =	wrdreg s2  }
0xa9: {  	[dreg:$0x3] =	wrdreg s4  }
0xaa: {  	[dreg:$0x4] =	wrdreg $0xC0  }
0xab: {  	_ =	task [dreg:s6], $0x5FFFF  }
0xac: {  	[dreg:$0x1] =	wrdreg $0xFFFFFFFF  }
0xad: {  	[dreg:$0x0] =	wrdreg $0x60  }
0xae: {  	[dreg:$0x2] =	wrdreg s24  }
0xaf: {  	[dreg:$0x3] =	wrdreg $0x2C800  }
0xb0: {  	[dreg:$0x4] =	wrdreg $0x9  }
0xb1: {  	_ =	task.clear_ibuf [dreg:s6], $0x5FFFF;
	_ =	strace $0x90000046  }
0xb2: {  	s29 =	simm.s32 $0x9;
	_ =	strace $0x80000048  }
0xb3: {  	_ =	swait.ge [sflag:s29], $0x1  }
0xb4: {  	[sflag:s29] =	ssyncadd.s32 $0xFFFFFFFF  }
0xb5: {  	_ =	strace $0x90000048  }
0xb6: {  	_ =	sfence  }
0xb7: {  	s30 =	sld [smem:$0x0];
	_ =	sdelay $0x2  }
0xb8: {  	s31 =	sshll.u32 s1, $0xD;
	s1 =	sshrl.u32 s1, $0x2  }
0xb9: {  	s3 =	sand.u32 $0x4000, s31;
	s1 =	sadd.s32 s1, s30  }
0xba: {  	s0 =	sor.u32 s3, s0;
	s1 =	sshll.u32 s1, $0x11  }
0xbb: {  	s0 =	sor.u32 s1, s0  }
0xbc: {  	s0 =	sadd.s32 $0x8F2B, s0  }
0xbd: {  	[sflag:s0] =	ssyncadd.remote.s32 $0x1  }
0xbe: {  	_ =	sfence.sel $0xFFFF  }
0xbf: {  	[dreg:$0x0] =	wrdreg $0xFFFFFFFF;
	(pc) =	sbr.abs _section_cstart, $3  }
0xc0: {  	[dreg:$0x1] =	wrdreg $0xFFFFFFFF  }
0xc1: {  	_ =	task.clear_ibuf [dreg:s6], $0x2FFFF;
	_ =	strace $0x9FFFFFFF  }
0xc2: {  	(tm) =	ssettm $0x7FFFFFFF  }
0xc3: {  	_ =	shalt  }
tec
execute0_lowered:
.L_overlay_start_1:
0x0: {  	(tag) =	ssettag $0x1  }
0x1: {  	s5 =	rddreg [dreg:$0x0]  }
0x2: {  	s2 =	rddreg [dreg:$0x1]  }
0x3: {  	s0 =	rddreg [dreg:$0x2]  }
0x4: {  	s3 =	simm.s32 $0x0;
	s1 =	stileid.u32;
	s7 =	srdreg.scid  }
0x5: {  	s13 =	simm.s32 $0x2880;
	[smem:$0x7FF] =	sst s3;
	s4 =	sshll.u32 s1, $0x4  }
0x6: {  	s6 =	smul.u32 $0x13C0, s1;
	s7 =	sand.u32 $0x1, s7;
	s31 =	sshll.u32 s1, $0x6  }
0x7: {  	_ =	strace $0x80000047;
	s8 =	sadd.s32 s4, s5;
	s9 =	smul.u32 $0x2780, s7  }
0x8: {  	s10 =	ssub.s32 $0x2, s7;
	s4 =	sadd.s32 $0x1AE00, s5;
	s29 =	sshll.u32 s7, $0x8  }
0x9: {  	s14 =	sshrl.u32 s6, $0x3;
	s12 =	sshrl.u32 s10, $0x1;
	s30 =	sadd.s32 s6, s2  }
0xa: {  	s7 =	sadd.s32 s29, s8;
	s6 =	sor.u32 $0x1C01, s31;
	s11 =	sadd.s32 s14, s5  }
0xb: {  	s9 =	sadd.s32 s9, s5;
	s10 =	ssub.s32 s10, s12;
	s7 =	sadd.s32 $0xE400, s7  }
0xc: {  	s12 =	simm.s32 $0x1000;
	s5 =	sadd.s32 $0x18600, s11;
	s15 =	sadd.s32 $0x1B000, s9  }
0xd: {  	s8 =	smax.u32 s10, $0x1;
	s9 =	sshrl.u32 s30, $0x3;
	s10 =	simm.s32 $0x1  }
0xe: {  	s11 =	simm.s32 $0x80;
	s14 =	sadd.s32 s14, s15;
	s15 =	simm.s32 $0x0  }
.LBB2_1:
0xf: {  	[spmem:s9], [sflag:s6] =	dma.local [hbm:s5], $0x278  }
0x10: {  	_ =	swait.ge [sflag:s10], $0x278  }
0x11: {  	[sflag:s10] =	ssyncset.done $0x0  }
0x12: {  	[sflag:s10] =	ssyncadd.s32 $0xFFFFFD88  }
0x13: {  	[tilespmem:s3], [sflag:$0x1] =	stream.strided.gather [hbm4b:s7+s11], $0x2880, s12, s11, $0x38;
	[tilespmem:$0x4040] =	vst v63  }
0x14: {  	_ =	swait.ge [sflag:s10], $0x2880  }
0x15: {  	[sflag:s10] =	ssyncset.done $0x0  }
0x16: {  	[sflag:s10] =	ssyncadd.s32 $0xFFFFD780  }
0x17: {  	[tilespmem:s13], [sflag:$0x1] =	stream.linear.gather [hbm4b:s4+s3], $0x400, $0x38;
	[tilespmem:$0x4040] =	vst v63  }
0x18: {  	_ =	swait.ge [sflag:s10], $0x400  }
0x19: {  	[sflag:s10] =	ssyncset.done $0x0  }
0x1a: {  	[sflag:s10] =	ssyncadd.s32 $0xFFFFFC00  }
0x1b: {  	s16 =	simm.s32 $0x0;
	[bflag:$0x0] =	sbarrier.arrive $0xFFFF  }
0x1c: {  	[spmem:s2] =	stream.indirect.scatter.add.f32 [tilespmem:s13], [sflag:$0x1], $0x8, s16, s11, $0xb8;
	[tilespmem:$0x4040] =	vst v63  }
0x1d: {  	_ =	swait.ge [sflag:s10], $0x400  }
0x1e: {  	s16 =	simm.s32 $0x200;
	[sflag:s10] =	ssyncset.done $0x0  }
.LBB2_2:
0x1f: {  	s17 =	sshra.s32 s16, $0x2;
	[sflag:s10] =	ssyncadd.s32 $0xFFFFFC00;
	p0 =	sne.s32 s16, $0xA000  }
0x20: {  	[spmem:s2] =	stream.indirect.scatter.add.f32 [tilespmem:s13], [sflag:$0x1], $0x8, s17, s11, $0xb8;
	[tilespmem:$0x4040] =	vst v63  }
.Ltmp0:
0x21: {  	_ = 	snop;
	(pc) =	sbr.rel @p0 .LBB2_2-.Ltmp0, $4  }
0x22: {  	_ = 	snop  }
0x23: {  	s16 =	sadd.s32 $0x200, s16  }
0x24: {  	_ =	swait.ge [sflag:s10], $0x400  }
0x25: {  	[sflag:s10] =	ssyncset.done $0x0  }
0x26: {  	s15 =	sadd.s32 $0x1, s15  }
0x27: {  	[sflag:s10] =	ssyncadd.s32 $0xFFFFFC00;
	p0 =	sne.s32 s15, s8  }
.Ltmp1:
0x28: {  	[bflag:$0x0] =	sbarrier.arrive $0xFFFF;
	(pc) =	sbr.rel @p0 .LBB2_1-.Ltmp1, $4  }
0x29: {  	[hbm:s14], [sflag:s6] =	dma.local [spmem:s9], $0x278  }
0x2a: {  	_ =	swait.ge [sflag:s10], $0x278  }
0x2b: {  	[sflag:s10] =	ssyncset.done $0x0  }
0x2c: {  	[sflag:s10] =	ssyncadd.s32 $0xFFFFFD88  }
0x2d: {  	_ =	sfence.sel $0x180000  }
0x2e: {  	[bflag:$0x0] =	sbarrier.arrive $0xFFFF  }
0x2f: {  	p0 =	sne.s32 s1, $0x0;
	_ =	strace $0x90000047  }
0x30: {  	s0 =	sadd.s32 @!p0 $0x100000, s0;
	[bflag:$0x2] =	sbarrier.arrive $0xFFFF  }
0x31: {  	[sflag:s0] =	ssyncadd.tile.s32 @!p0 $0x1;
	_ =	shalt  }
.Lfunc_end2:
_tile_overlayer_lowered:
.L_overlay_start_2:
0x32: {  	(tag) =	ssettag $0x2  }
0x33: {  	s0 =	rddreg [dreg:$0x0];
	s2 =	stileid.u32  }
0x34: {  	s1 =	rddreg [dreg:$0x1];
	p0 =	sne.s32 s2, $0x0  }
0x35: {  	s3 =	rddreg [dreg:$0x2];
	[bflag:$0x3] =	sbarrier.arrive $0xFFFF;
	s2 =	simm.s32 @!p0 $0x1C01  }
0x36: {  	[timem:s3], [sflag:s2] =	dma.local @!p0 [hbm:s0], s1  }
0x37: {  	s0 =	simm.s32 @!p0 $0x1  }
0x38: {  	_ =	swait.ge @!p0 [sflag:s0], s1  }
0x39: {  	s1 =	ssub.s32 @!p0 $0x0, s1;
	[sflag:s0] =	ssyncset.done @!p0 $0x0  }
0x3a: {  	[sflag:s0] =	ssyncadd.s32 @!p0 s1  }
0x3b: {  	[bflag:$0x3] =	sbarrier.arrive $0xFFFF  }
0x3c: {  	_ =	shalt  }

// kernel: kernel.14.cloned.1.call-start
scs
__scs_entry_jumppad:
0x0: {  	(pc) =	sbr.rel $0x88, $3  }
0x1: {  	(tag) =	ssettag $0x0;
	lr =	simm.s32 $0x1  }
0x2: {  	[smem:$0x3F8E] =	sst lr;
	_ =	strace $0xD0000000  }
0x3: {  	_ = 	snop  }
0x4: {  	_ = 	snop  }
0x5: {  	_ = 	snop  }
0x6: {  	_ = 	snop  }
0x7: {  	_ = 	snop  }
__scs_overlays_trampoline_lowered:
0x8: {  	[smem:$0x3F9D] =	sst s0  }
0x9: {  	[smem:$0x3F9E] =	sst s1  }
0xa: {  	[smem:$0x3F9F] =	sst s2  }
0xb: {  	[smem:$0x3FA0] =	sst s3  }
0xc: {  	[smem:$0x3FA1] =	sst s4  }
0xd: {  	[smem:$0x3FA2] =	sst s5  }
0xe: {  	[smem:$0x3FA3] =	sst s6  }
0xf: {  	[smem:$0x3FA4] =	sst s7  }
0x10: {  	[smem:$0x3FA5] =	sst s8  }
0x11: {  	[smem:$0x3FA6] =	sst s9;
	s0 =	simm.s32 @!p0 $0x0  }
0x12: {  	s1 =	sld [smem:$0x3F8C];
	s0 =	simm.s32 @p0 $0x1  }
0x13: {  	[smem:$0x3FA7] =	sst s0;
	s0 =	simm.s32 @!p1 $0x0  }
0x14: {  	s2 =	sld [smem:$0x3F8B];
	s0 =	simm.s32 @p1 $0x1  }
0x15: {  	[smem:$0x3FA8] =	sst s0;
	s0 =	simm.s32 @!p2 $0x0  }
0x16: {  	s3 =	sld [smem:$0x3FDB];
	s0 =	simm.s32 @p2 $0x1  }
0x17: {  	s4 =	simm.s32 $0x1BF5;
	[smem:$0x3FAA] =	sst s0  }
0x18: {  	s0 =	sld [smem:$0x3F8D];
	_ =	swait.ge [sflag:s4], $0x0  }
0x19: {  	s7 =	sld [smem:$0x3F8E]  }
0x1a: {  	s8 =	sadd.s32 $0xFFFFE003, lr  }
0x1b: {  	s9 =	sadd.s32 $0xFFFFFEF7, lr;
	s5 =	simm.s32 $0xFFFFFFFF;
	p2 =	slt.u32 s8, $0xFFFFF086  }
0x1c: {  	p1 =	slt.u32 s9, $0xF7A;
	s5 =	simm.s32 @!p2 $0x0  }
0x1d: {  	s5 =	simm.s32 @p1 $0x1;
	p0 =	seq.s32 s7, s2  }
0x1e: {  	s7 =	smul.u32 @!p0 $0xF7A, s2;
	p2 =	seq.s32 @!p0 s5, $0x0  }
0x1f: {  	s9 =	smul.u32 $0xF7A, s1;
	s8 =	simm.s32 @!p0 $0x1BF5;
	p2 =	por !p2, p0  }
0x20: {  	[sflag:s8] =	ssyncset.s32 @!p0 $0xFFFFF086;
	s6 =	sadd.s32 @!p0 s3, s7;
	s7 =	simm.s32 @!p0 $0x108  }
0x21: {  	s3 =	sadd.s32 s3, s9;
	s6 =	sadd.s32 @!p0 $0x88, s6;
	s7 =	simm.s32 @p2 $0x1082  }
0x22: {  	[simem:s7], [sflag:s8] =	dma.local @!p0 [hbm:s6], $0xF7A  }
0x23: {  	s9 =	sor.u32 $0xD0000000, s2;
	s6 =	simm.s32 $0x108;
	_ =	swait.ge @!p0 [sflag:s8], $0x0  }
0x24: {  	s3 =	sadd.s32 $0x88, s3;
	s6 =	simm.s32 @!p1 $0x1082;
	[sflag:s4] =	ssyncset.s32 $0xFFFFF086  }
0x25: {  	[simem:s6], [sflag:s4] =	dma.local [hbm:s3], $0xF7A  }
0x26: {  	[smem:$0x3F8E] =	sst s1;
	(tag) =	ssettag s2;
	_ =	strace s9  }
0x27: {  	s1 =	sld [smem:$0x3F9E]  }
0x28: {  	s2 =	sld [smem:$0x3F9F]  }
0x29: {  	s4 =	sld [smem:$0x3FA1]  }
0x2a: {  	p0 =	seq.s32 s5, $0x0;
	s5 =	sld [smem:$0x3FA2]  }
0x2b: {  	s6 =	sld [smem:$0x3FA3]  }
0x2c: {  	s7 =	sld [smem:$0x3FA4]  }
0x2d: {  	s3 =	simm.s32 $0x108;
	s8 =	sld [smem:$0x3FA5]  }
0x2e: {  	s3 =	simm.s32 @!p0 $0x1082;
	s9 =	sld [smem:$0x3FA6]  }
0x2f: {  	lr =	sadd.s32 s0, s3;
	s0 =	sld [smem:$0x3F9D]  }
0x30: {  	s3 =	sld [smem:$0x3FA0]  }
0x31: {  	[smem:$0x3FA9] =	sst s10  }
0x32: {  	s10 =	sld [smem:$0x3FA7];
	_ =	sdelay $0x3  }
0x33: {  	p0 =	seq.s32 s10, $0x1;
	s10 =	sld [smem:$0x3FA9];
	_ =	sdelay $0x3  }
0x34: {  	[smem:$0x3FA9] =	sst s10  }
0x35: {  	s10 =	sld [smem:$0x3FA8];
	_ =	sdelay $0x3  }
0x36: {  	p1 =	seq.s32 s10, $0x1;
	s10 =	sld [smem:$0x3FA9];
	_ =	sdelay $0x3  }
0x37: {  	[smem:$0x3FA9] =	sst s10  }
0x38: {  	s10 =	sld [smem:$0x3FAA]  }
0x39: {  	_ = 	snop;
	(pc) =	sbr.ind lr, $3  }
0x3a: {  	_ = 	snop  }
0x3b: {  	_ = 	snop  }
0x3c: {  	p2 =	seq.s32 s10, $0x1;
	s10 =	sld [smem:$0x3FA9]  }
0x3d: {  	_ =	shalt  }
0x3e: {  	_ =	shalt  }
0x3f: {  	_ =	shalt  }
0x40: {  	_ =	shalt  }
0x41: {  	_ =	shalt  }
0x42: {  	_ =	shalt  }
0x43: {  	_ =	shalt  }
0x44: {  	_ =	shalt  }
0x45: {  	_ =	shalt  }
0x46: {  	_ =	shalt  }
0x47: {  	_ =	shalt  }
0x48: {  	_ =	shalt  }
0x49: {  	_ =	shalt  }
0x4a: {  	_ =	shalt  }
0x4b: {  	_ =	shalt  }
0x4c: {  	_ =	shalt  }
0x4d: {  	_ =	shalt  }
0x4e: {  	_ =	shalt  }
0x4f: {  	_ =	shalt  }
0x50: {  	_ =	shalt  }
0x51: {  	_ =	shalt  }
0x52: {  	_ =	shalt  }
0x53: {  	_ =	shalt  }
0x54: {  	_ =	shalt  }
0x55: {  	_ =	shalt  }
0x56: {  	_ =	shalt  }
0x57: {  	_ =	shalt  }
0x58: {  	_ =	shalt  }
0x59: {  	_ =	shalt  }
0x5a: {  	_ =	shalt  }
0x5b: {  	_ =	shalt  }
0x5c: {  	_ =	shalt  }
0x5d: {  	_ =	shalt  }
0x5e: {  	_ =	shalt  }
0x5f: {  	_ =	shalt  }
0x60: {  	_ =	shalt  }
0x61: {  	_ =	shalt  }
0x62: {  	_ =	shalt  }
0x63: {  	_ =	shalt  }
0x64: {  	_ =	shalt  }
0x65: {  	_ =	shalt  }
0x66: {  	_ =	shalt  }
0x67: {  	_ =	shalt  }
0x68: {  	_ =	shalt  }
0x69: {  	_ =	shalt  }
0x6a: {  	_ =	shalt  }
0x6b: {  	_ =	shalt  }
0x6c: {  	_ =	shalt  }
0x6d: {  	_ =	shalt  }
0x6e: {  	_ =	shalt  }
0x6f: {  	_ =	shalt  }
0x70: {  	_ =	shalt  }
0x71: {  	_ =	shalt  }
0x72: {  	_ =	shalt  }
0x73: {  	_ =	shalt  }
0x74: {  	_ =	shalt  }
0x75: {  	_ =	shalt  }
0x76: {  	_ =	shalt  }
0x77: {  	_ =	shalt  }
0x78: {  	_ =	shalt  }
0x79: {  	_ =	shalt  }
0x7a: {  	_ =	shalt  }
0x7b: {  	_ =	shalt  }
0x7c: {  	_ =	shalt  }
0x7d: {  	_ =	shalt  }
0x7e: {  	_ =	shalt  }
0x7f: {  	_ =	shalt  }
0x80: {  	_ =	shalt  }
0x81: {  	_ =	shalt  }
0x82: {  	_ =	shalt  }
0x83: {  	_ =	shalt  }
0x84: {  	_ =	shalt  }
0x85: {  	_ =	shalt  }
0x86: {  	_ =	shalt  }
0x87: {  	_ =	shalt  }
.Lfunc_end0:
.L_simem_size_0:
called_computation.1_lowered:
.L_overlay_start_0:
0x88: {  	s2 =	sld [smem:$0x3FD9]  }
0x89: {  	s3 =	sld [smem:$0x3FFE];
	_ =	sdelay $0x1  }
0x8a: {  	s1 =	srdreg.scid  }
0x8b: {  	s0 =	sand.u32 $0x1, s1  }
0x8c: {  	s16 =	sshll.u32 s0, $0xA;
	s2 =	sadd.s32 s3, s2  }
0x8d: {  	s2 =	sadd.s32 s2, s16  }
0x8e: {  	[smem:$0x3FB5] =	sst s2  }
0x8f: {  	_ = 	snop  }
0x90: {  	(tm) =	ssettm $0x1  }
0x91: {  	s17 =	sld [smem:$0x3FFB];
	_ =	sdelay $0x3  }
0x92: {  	_ =	strace s17  }
0x93: {  	s2 =	sld [smem:$0x3FFC];
	_ =	sdelay $0x3  }
0x94: {  	_ =	strace s2  }
0x95: {  	s2 =	sld [smem:$0x3FFD];
	_ =	sdelay $0x3  }
0x96: {  	_ =	strace s2  }
0x97: {  	_ =	strace $0x8FFFFFFF  }
0x98: {  	s18 =	sld [smem:$0x3FDB];
	_ =	sdelay $0x1  }
0x99: {  	s19 =	simm.s32 $_scs_section_size  }
0x9a: {  	s4 =	simm.s32 $_size__tile_overlayer_lowered;
	s5 =	simm.s32 $_tile_overlayer_lowered  }
0x9b: {  	s22 =	simm.s32 $0x1BFF;
	s21 =	sshll.u32 s5, $0x1;
	s2 =	sadd.s32 s19, s18  }
0x9c: {  	s6 =	simm.s32 $0x0;
	s20 =	sshll.u32 s4, $0x1;
	s4 =	sadd.s32 s21, s2  }
0x9d: {  	[timem:s6], [sflag:s22] =	dma.local [hbm:s4], s20  }
0x9e: {  	_ =	swait.ge [sflag:s22], s20  }
0x9f: {  	s3 =	ssub.s32 $0x0, s20;
	[sflag:s22] =	ssyncset.done $0x0  }
0xa0: {  	[sflag:s22] =	ssyncadd.s32 s3;
	_ =	sdelay $0x1  }
0xa1: {  	s23 =	simm.s32 $0x1B8B  }
0xa2: {  	_ =	swait.ge [sflag:s23], $0x1  }
0xa3: {  	[sflag:s23] =	ssyncset.done $0x0  }
0xa4: {  	s25 =	simm.s32 $0x1B8E;
	s24 =	sld [smem:$0x3FFE];
	[sflag:s23] =	ssyncadd.s32 $0xFFFFFFFF  }
0xa5: {  	s26 =	simm.s32 $execute0_lowered;
	[smem:$0x3FD2] =	sst s25  }
0xa6: {  	s4 =	sshll.u32 s26, $0x1;
	_ =	strace $0x80000049;
	[dreg:$0x1] =	wrdreg $0xFFFFFFFF  }
0xa7: {  	s28 =	simm.s32 $_size_execute0_lowered;
	s2 =	sadd.s32 s2, s4;
	[dreg:$0x0] =	wrdreg $0x0  }
0xa8: {  	s4 =	sshll.u32 s28, $0x1;
	[dreg:$0x2] =	wrdreg s2  }
0xa9: {  	[dreg:$0x3] =	wrdreg s4  }
0xaa: {  	[dreg:$0x4] =	wrdreg $0xC0  }
0xab: {  	_ =	task [dreg:s6], $0x5FFFF  }
0xac: {  	[dreg:$0x1] =	wrdreg $0xFFFFFFFF  }
0xad: {  	[dreg:$0x0] =	wrdreg $0x60  }
0xae: {  	[dreg:$0x2] =	wrdreg s24  }
0xaf: {  	[dreg:$0x3] =	wrdreg $0x91000  }
0xb0: {  	[dreg:$0x4] =	wrdreg $0x9  }
0xb1: {  	_ =	task.clear_ibuf [dreg:s6], $0x5FFFF;
	_ =	strace $0x90000049  }
0xb2: {  	s29 =	simm.s32 $0x9;
	_ =	strace $0x8000004B  }
0xb3: {  	_ =	swait.ge [sflag:s29], $0x1  }
0xb4: {  	[sflag:s29] =	ssyncadd.s32 $0xFFFFFFFF  }
0xb5: {  	_ =	strace $0x9000004B  }
0xb6: {  	_ =	sfence  }
0xb7: {  	s30 =	sld [smem:$0x0];
	_ =	sdelay $0x2  }
0xb8: {  	s31 =	sshll.u32 s1, $0xD;
	s1 =	sshrl.u32 s1, $0x2  }
0xb9: {  	s3 =	sand.u32 $0x4000, s31;
	s1 =	sadd.s32 s1, s30  }
0xba: {  	s0 =	sor.u32 s3, s0;
	s1 =	sshll.u32 s1, $0x11  }
0xbb: {  	s0 =	sor.u32 s1, s0  }
0xbc: {  	s0 =	sadd.s32 $0x8F2B, s0  }
0xbd: {  	[sflag:s0] =	ssyncadd.remote.s32 $0x1  }
0xbe: {  	_ =	sfence.sel $0xFFFF  }
0xbf: {  	[dreg:$0x0] =	wrdreg $0xFFFFFFFF;
	(pc) =	sbr.abs _section_cstart, $3  }
0xc0: {  	[dreg:$0x1] =	wrdreg $0xFFFFFFFF  }
0xc1: {  	_ =	task.clear_ibuf [dreg:s6], $0x2FFFF;
	_ =	strace $0x9FFFFFFF  }
0xc2: {  	(tm) =	ssettm $0x7FFFFFFF  }
0xc3: {  	_ =	shalt  }
tec
execute0_lowered:
.L_overlay_start_1:
0x0: {  	(tag) =	ssettag $0x1  }
0x1: {  	s5 =	rddreg [dreg:$0x0]  }
0x2: {  	s1 =	rddreg [dreg:$0x1]  }
0x3: {  	s0 =	rddreg [dreg:$0x2];
	s2 =	simm.s32 $0x0  }
0x4: {  	s6 =	srdreg.scid;
	s3 =	stileid.u32;
	s15 =	simm.s32 $0x5100  }
0x5: {  	s16 =	simm.s32 $0x7100;
	s17 =	simm.s32 $0x1;
	s18 =	simm.s32 $0x4  }
0x6: {  	s19 =	simm.s32 $0x2;
	s20 =	simm.s32 $0x5080;
	[smem:$0x7FF] =	sst s2  }
0x7: {  	s4 =	sadd.s32 $0x18600, s5;
	s6 =	sand.u32 $0x1, s6;
	s8 =	sshll.u32 s3, $0x4  }
0x8: {  	s9 =	smul.u32 $0x9E00, s3;
	s31 =	sshll.u32 s3, $0x6;
	_ =	strace $0x8000004A  }
0x9: {  	s7 =	sshll.u32 s6, $0x8;
	s29 =	smul.u32 $0x13C00, s6;
	s6 =	ssub.s32 $0x2, s6  }
0xa: {  	s7 =	sor.u32 s8, s7;
	s21 =	sshrl.u32 s9, $0x3;
	s30 =	sshrl.u32 s6, $0x1  }
0xb: {  	s14 =	sadd.s32 s9, s1;
	s10 =	sadd.s32 s7, s5;
	s11 =	sadd.s32 s21, s5  }
0xc: {  	s12 =	sadd.s32 s29, s5;
	s13 =	ssub.s32 s6, s30;
	s6 =	sor.u32 $0x1C03, s31  }
0xd: {  	s5 =	sadd.s32 $0x2C200, s11;
	s7 =	sadd.s32 $0x4200, s10;
	s8 =	sadd.s32 $0xE400, s10  }
0xe: {  	s22 =	sadd.s32 $0x3FE00, s12;
	s9 =	smax.u32 s13, $0x1;
	s10 =	sshrl.u32 s14, $0x3  }
0xf: {  	s11 =	simm.s32 $0x3;
	s12 =	simm.s32 $0x80;
	s13 =	simm.s32 $0x1000  }
0x10: {  	s14 =	simm.s32 $0x2880;
	s21 =	sadd.s32 s21, s22;
	s22 =	simm.s32 $0x0  }
.LBB2_1:
0x11: {  	[spmem:s10], [sflag:s6] =	dma.local [hbm:s5], $0x13C0  }
0x12: {  	_ =	swait.ge [sflag:s11], $0x13C0  }
0x13: {  	[sflag:s11] =	ssyncset.done $0x0  }
0x14: {  	[sflag:s11] =	ssyncadd.s32 $0xFFFFEC40  }
0x15: {  	[tilespmem:s2], [sflag:$0x3] =	stream.strided.gather [hbm4b:s7+s12], $0x2880, s13, s12, $0x38;
	[tilespmem:$0x12F00] =	vst v63  }
0x16: {  	_ =	swait.ge [sflag:s11], $0x2880  }
0x17: {  	[sflag:s11] =	ssyncset.done $0x0  }
0x18: {  	[sflag:s11] =	ssyncadd.s32 $0xFFFFD780  }
0x19: {  	[tilespmem:s14], [sflag:$0x3] =	stream.strided.gather [hbm4b:s8+s12], $0x2880, s13, s12, $0x38;
	[tilespmem:$0x12F00] =	vst v63  }
0x1a: {  	_ =	swait.ge [sflag:s11], $0x2880  }
0x1b: {  	[sflag:s11] =	ssyncset.done $0x0  }
0x1c: {  	[sflag:s11] =	ssyncadd.s32 $0xFFFFD780  }
0x1d: {  	[bflag:$0x0] =	sbarrier.arrive $0xFFFF  }
0x1e: {  	[tilespmem:s15], [sflag:$0x1] =	stream.indirect.gather [hbm4b:s4+s12], $0x40, s2, s12, $0xb8;
	[tilespmem:$0x12F00] =	vst v63  }
0x1f: {  	s23 =	simm.s32 $0x80  }
0x20: {  	[tilespmem:s16], [sflag:$0x2] =	stream.indirect.gather [hbm4b:s4+s12], $0x40, s23, s12, $0xb8;
	[tilespmem:$0x12F00] =	vst v63  }
0x21: {  	_ =	swait.ge [sflag:s17], $0x2000  }
0x22: {  	[sflag:s17] =	ssyncset.done $0x0  }
0x23: {  	s29 =	simm.s32 $0x2880;
	[sflag:s17] =	ssyncadd.s32 $0xFFFFE000  }
0x24: {  	[spmem:s1] =	stream.indirect.scatter.add.f32 [tilespmem:s15], [sflag:$0x4], $0x40, s29, s12, $0xb8;
	[tilespmem:$0x12F00] =	vst v63  }
0x25: {  	_ =	swait.ge [sflag:s18], $0x2000  }
0x26: {  	[sflag:s18] =	ssyncset.done $0x0  }
0x27: {  	s30 =	simm.s32 $0x100;
	[sflag:s18] =	ssyncadd.s32 $0xFFFFE000  }
0x28: {  	[tilespmem:s15], [sflag:$0x1] =	stream.indirect.gather [hbm4b:s4+s12], $0x40, s30, s12, $0xb8;
	[tilespmem:$0x12F00] =	vst v63  }
0x29: {  	_ =	swait.ge [sflag:s19], $0x2000  }
0x2a: {  	[sflag:s19] =	ssyncset.done $0x0  }
0x2b: {  	s31 =	simm.s32 $0x2900;
	[sflag:s19] =	ssyncadd.s32 $0xFFFFE000  }
0x2c: {  	[spmem:s1] =	stream.indirect.scatter.add.f32 [tilespmem:s16], [sflag:$0x3], $0x40, s31, s12, $0xb8;
	[tilespmem:$0x12F00] =	vst v63  }
0x2d: {  	_ =	swait.ge [sflag:s11], $0x2000  }
0x2e: {  	s24 =	simm.s32 $0x800;
	s23 =	simm.s32 $0x100;
	[sflag:s11] =	ssyncset.done $0x0  }
.LBB2_2:
0x2f: {  	s25 =	sadd.s32 $0x80, s23  }
0x30: {  	[sflag:s11] =	ssyncadd.s32 $0xFFFFE000;
	s26 =	smov.u32 s24;
	s28 =	sadd.s32 $0x400, s24  }
0x31: {  	[tilespmem:s16], [sflag:$0x2] =	stream.indirect.gather [hbm4b:s4+s12], $0x40, s25, s12, $0xb8;
	[tilespmem:$0x12F00] =	vst v63  }
0x32: {  	p0 =	sne.s32 s24, $0x9C00;
	_ =	swait.ge [sflag:s17], $0x2000  }
0x33: {  	[sflag:s17] =	ssyncset.done $0x0  }
0x34: {  	s24 =	sadd.s32 $0x2880, s23;
	[sflag:s17] =	ssyncadd.s32 $0xFFFFE000  }
0x35: {  	[spmem:s1] =	stream.indirect.scatter.add.f32 [tilespmem:s15], [sflag:$0x4], $0x40, s24, s12, $0xb8;
	[tilespmem:$0x12F00] =	vst v63  }
0x36: {  	_ =	swait.ge [sflag:s18], $0x2000  }
0x37: {  	[sflag:s18] =	ssyncset.done $0x0  }
0x38: {  	s24 =	sadd.s32 $0x100, s23;
	[sflag:s18] =	ssyncadd.s32 $0xFFFFE000  }
0x39: {  	[tilespmem:s15], [sflag:$0x1] =	stream.indirect.gather [hbm4b:s4+s12], $0x40, s24, s12, $0xb8;
	[tilespmem:$0x12F00] =	vst v63  }
0x3a: {  	_ =	swait.ge [sflag:s19], $0x2000  }
.Ltmp0:
0x3b: {  	[sflag:s19] =	ssyncset.done $0x0;
	(pc) =	sbr.rel @p0 .LBB2_2-.Ltmp0, $4  }
0x3c: {  	s23 =	sadd.s32 $0x2900, s23;
	[sflag:s19] =	ssyncadd.s32 $0xFFFFE000  }
0x3d: {  	[spmem:s1] =	stream.indirect.scatter.add.f32 [tilespmem:s16], [sflag:$0x3], $0x40, s23, s12, $0xb8;
	[tilespmem:$0x12F00] =	vst v63  }
0x3e: {  	_ =	swait.ge [sflag:s11], $0x2000  }
0x3f: {  	s24 =	smov.u32 s28;
	s23 =	sshra.s32 s26, $0x2;
	[sflag:s11] =	ssyncset.done $0x0  }
0x40: {  	s24 =	sadd.s32 $0x80, s23;
	[sflag:s11] =	ssyncadd.s32 $0xFFFFE000  }
0x41: {  	[tilespmem:s16], [sflag:$0x2] =	stream.indirect.gather [hbm4b:s4+s12], $0x40, s24, s12, $0xb8;
	[tilespmem:$0x12F00] =	vst v63  }
0x42: {  	_ =	swait.ge [sflag:s17], $0x2000  }
0x43: {  	[sflag:s17] =	ssyncset.done $0x0  }
0x44: {  	s29 =	sadd.s32 $0x2880, s23;
	[sflag:s17] =	ssyncadd.s32 $0xFFFFE000  }
0x45: {  	[spmem:s1] =	stream.indirect.scatter.add.f32 [tilespmem:s15], [sflag:$0x4], $0x40, s29, s12, $0xb8;
	[tilespmem:$0x12F00] =	vst v63  }
0x46: {  	_ =	swait.ge [sflag:s18], $0x2000  }
0x47: {  	[sflag:s18] =	ssyncset.done $0x0  }
0x48: {  	s30 =	sadd.s32 $0x100, s23;
	[sflag:s18] =	ssyncadd.s32 $0xFFFFE000  }
0x49: {  	[tilespmem:s15], [sflag:$0x1] =	stream.indirect.gather [hbm4b:s4+s12], $0x40, s30, s12, $0xb8;
	[tilespmem:$0x12F00] =	vst v63  }
0x4a: {  	_ =	swait.ge [sflag:s19], $0x2000  }
0x4b: {  	[sflag:s19] =	ssyncset.done $0x0  }
0x4c: {  	s31 =	sadd.s32 $0x2900, s23;
	[sflag:s19] =	ssyncadd.s32 $0xFFFFE000  }
0x4d: {  	[spmem:s1] =	stream.indirect.scatter.add.f32 [tilespmem:s16], [sflag:$0x3], $0x40, s31, s12, $0xb8;
	[tilespmem:$0x12F00] =	vst v63  }
0x4e: {  	_ =	swait.ge [sflag:s11], $0x2000  }
0x4f: {  	[sflag:s11] =	ssyncset.done $0x0  }
0x50: {  	[sflag:s11] =	ssyncadd.s32 $0xFFFFE000  }
0x51: {  	_ =	swait.ge [sflag:s17], $0x2000  }
0x52: {  	[sflag:s17] =	ssyncset.done $0x0  }
0x53: {  	[sflag:s17] =	ssyncadd.s32 $0xFFFFE000  }
0x54: {  	[spmem:s1] =	stream.indirect.scatter.add.f32 [tilespmem:s15], [sflag:$0x4], $0x40, s20, s12, $0xb8;
	[tilespmem:$0x12F00] =	vst v63  }
0x55: {  	_ =	swait.ge [sflag:s18], $0x2000  }
0x56: {  	s22 =	sadd.s32 $0x1, s22;
	[sflag:s18] =	ssyncset.done $0x0  }
0x57: {  	p0 =	sne.s32 s22, s9;
	[sflag:s18] =	ssyncadd.s32 $0xFFFFE000  }
.Ltmp1:
0x58: {  	[bflag:$0x0] =	sbarrier.arrive $0xFFFF;
	(pc) =	sbr.rel @p0 .LBB2_1-.Ltmp1, $4  }
0x59: {  	[hbm:s21], [sflag:s6] =	dma.local [spmem:s10], $0x13C0  }
0x5a: {  	_ =	swait.ge [sflag:s11], $0x13C0  }
0x5b: {  	[sflag:s11] =	ssyncset.done $0x0  }
0x5c: {  	[sflag:s11] =	ssyncadd.s32 $0xFFFFEC40  }
0x5d: {  	_ =	sfence.sel $0x180000  }
0x5e: {  	[bflag:$0x0] =	sbarrier.arrive $0xFFFF  }
0x5f: {  	p0 =	sne.s32 s3, $0x0;
	_ =	strace $0x9000004A  }
0x60: {  	s0 =	sadd.s32 @!p0 $0x100000, s0;
	[bflag:$0x2] =	sbarrier.arrive $0xFFFF  }
0x61: {  	[sflag:s0] =	ssyncadd.tile.s32 @!p0 $0x1;
	_ =	shalt  }
.Lfunc_end2:
_tile_overlayer_lowered:
.L_overlay_start_2:
0x62: {  	(tag) =	ssettag $0x2  }
0x63: {  	s0 =	rddreg [dreg:$0x0];
	s2 =	stileid.u32  }
0x64: {  	s1 =	rddreg [dreg:$0x1];
	p0 =	sne.s32 s2, $0x0  }
0x65: {  	s3 =	rddreg [dreg:$0x2];
	[bflag:$0x3] =	sbarrier.arrive $0xFFFF;
	s2 =	simm.s32 @!p0 $0x1C03  }
0x66: {  	[timem:s3], [sflag:s2] =	dma.local @!p0 [hbm:s0], s1  }
0x67: {  	s0 =	simm.s32 @!p0 $0x3  }
0x68: {  	_ =	swait.ge @!p0 [sflag:s0], s1  }
0x69: {  	s1 =	ssub.s32 @!p0 $0x0, s1;
	[sflag:s0] =	ssyncset.done @!p0 $0x0  }
0x6a: {  	[sflag:s0] =	ssyncadd.s32 @!p0 s1  }
0x6b: {  	[bflag:$0x3] =	sbarrier.arrive $0xFFFF  }
0x6c: {  	_ =	shalt  }

// kernel: kernel.17.cloned.1.call-start
scs
__scs_entry_jumppad:
0x0: {  	(pc) =	sbr.rel $0x88, $3  }
0x1: {  	(tag) =	ssettag $0x0;
	lr =	simm.s32 $0x1  }
0x2: {  	[smem:$0x3F8E] =	sst lr;
	_ =	strace $0xD0000000  }
0x3: {  	_ = 	snop  }
0x4: {  	_ = 	snop  }
0x5: {  	_ = 	snop  }
0x6: {  	_ = 	snop  }
0x7: {  	_ = 	snop  }
__scs_overlays_trampoline_lowered:
0x8: {  	[smem:$0x3F9D] =	sst s0  }
0x9: {  	[smem:$0x3F9E] =	sst s1  }
0xa: {  	[smem:$0x3F9F] =	sst s2  }
0xb: {  	[smem:$0x3FA0] =	sst s3  }
0xc: {  	[smem:$0x3FA1] =	sst s4  }
0xd: {  	[smem:$0x3FA2] =	sst s5  }
0xe: {  	[smem:$0x3FA3] =	sst s6  }
0xf: {  	[smem:$0x3FA4] =	sst s7  }
0x10: {  	[smem:$0x3FA5] =	sst s8  }
0x11: {  	[smem:$0x3FA6] =	sst s9;
	s0 =	simm.s32 @!p0 $0x0  }
0x12: {  	s1 =	sld [smem:$0x3F8C];
	s0 =	simm.s32 @p0 $0x1  }
0x13: {  	[smem:$0x3FA7] =	sst s0;
	s0 =	simm.s32 @!p1 $0x0  }
0x14: {  	s2 =	sld [smem:$0x3F8B];
	s0 =	simm.s32 @p1 $0x1  }
0x15: {  	[smem:$0x3FA8] =	sst s0;
	s0 =	simm.s32 @!p2 $0x0  }
0x16: {  	s3 =	sld [smem:$0x3FDB];
	s0 =	simm.s32 @p2 $0x1  }
0x17: {  	s4 =	simm.s32 $0x1BF5;
	[smem:$0x3FAA] =	sst s0  }
0x18: {  	s0 =	sld [smem:$0x3F8D];
	_ =	swait.ge [sflag:s4], $0x0  }
0x19: {  	s7 =	sld [smem:$0x3F8E]  }
0x1a: {  	s8 =	sadd.s32 $0xFFFFE003, lr  }
0x1b: {  	s9 =	sadd.s32 $0xFFFFFEF7, lr;
	s5 =	simm.s32 $0xFFFFFFFF;
	p2 =	slt.u32 s8, $0xFFFFF086  }
0x1c: {  	p1 =	slt.u32 s9, $0xF7A;
	s5 =	simm.s32 @!p2 $0x0  }
0x1d: {  	s5 =	simm.s32 @p1 $0x1;
	p0 =	seq.s32 s7, s2  }
0x1e: {  	s7 =	smul.u32 @!p0 $0xF7A, s2;
	p2 =	seq.s32 @!p0 s5, $0x0  }
0x1f: {  	s9 =	smul.u32 $0xF7A, s1;
	s8 =	simm.s32 @!p0 $0x1BF5;
	p2 =	por !p2, p0  }
0x20: {  	[sflag:s8] =	ssyncset.s32 @!p0 $0xFFFFF086;
	s6 =	sadd.s32 @!p0 s3, s7;
	s7 =	simm.s32 @!p0 $0x108  }
0x21: {  	s3 =	sadd.s32 s3, s9;
	s6 =	sadd.s32 @!p0 $0x88, s6;
	s7 =	simm.s32 @p2 $0x1082  }
0x22: {  	[simem:s7], [sflag:s8] =	dma.local @!p0 [hbm:s6], $0xF7A  }
0x23: {  	s9 =	sor.u32 $0xD0000000, s2;
	s6 =	simm.s32 $0x108;
	_ =	swait.ge @!p0 [sflag:s8], $0x0  }
0x24: {  	s3 =	sadd.s32 $0x88, s3;
	s6 =	simm.s32 @!p1 $0x1082;
	[sflag:s4] =	ssyncset.s32 $0xFFFFF086  }
0x25: {  	[simem:s6], [sflag:s4] =	dma.local [hbm:s3], $0xF7A  }
0x26: {  	[smem:$0x3F8E] =	sst s1;
	(tag) =	ssettag s2;
	_ =	strace s9  }
0x27: {  	s1 =	sld [smem:$0x3F9E]  }
0x28: {  	s2 =	sld [smem:$0x3F9F]  }
0x29: {  	s4 =	sld [smem:$0x3FA1]  }
0x2a: {  	p0 =	seq.s32 s5, $0x0;
	s5 =	sld [smem:$0x3FA2]  }
0x2b: {  	s6 =	sld [smem:$0x3FA3]  }
0x2c: {  	s7 =	sld [smem:$0x3FA4]  }
0x2d: {  	s3 =	simm.s32 $0x108;
	s8 =	sld [smem:$0x3FA5]  }
0x2e: {  	s3 =	simm.s32 @!p0 $0x1082;
	s9 =	sld [smem:$0x3FA6]  }
0x2f: {  	lr =	sadd.s32 s0, s3;
	s0 =	sld [smem:$0x3F9D]  }
0x30: {  	s3 =	sld [smem:$0x3FA0]  }
0x31: {  	[smem:$0x3FA9] =	sst s10  }
0x32: {  	s10 =	sld [smem:$0x3FA7];
	_ =	sdelay $0x3  }
0x33: {  	p0 =	seq.s32 s10, $0x1;
	s10 =	sld [smem:$0x3FA9];
	_ =	sdelay $0x3  }
0x34: {  	[smem:$0x3FA9] =	sst s10  }
0x35: {  	s10 =	sld [smem:$0x3FA8];
	_ =	sdelay $0x3  }
0x36: {  	p1 =	seq.s32 s10, $0x1;
	s10 =	sld [smem:$0x3FA9];
	_ =	sdelay $0x3  }
0x37: {  	[smem:$0x3FA9] =	sst s10  }
0x38: {  	s10 =	sld [smem:$0x3FAA]  }
0x39: {  	_ = 	snop;
	(pc) =	sbr.ind lr, $3  }
0x3a: {  	_ = 	snop  }
0x3b: {  	_ = 	snop  }
0x3c: {  	p2 =	seq.s32 s10, $0x1;
	s10 =	sld [smem:$0x3FA9]  }
0x3d: {  	_ =	shalt  }
0x3e: {  	_ =	shalt  }
0x3f: {  	_ =	shalt  }
0x40: {  	_ =	shalt  }
0x41: {  	_ =	shalt  }
0x42: {  	_ =	shalt  }
0x43: {  	_ =	shalt  }
0x44: {  	_ =	shalt  }
0x45: {  	_ =	shalt  }
0x46: {  	_ =	shalt  }
0x47: {  	_ =	shalt  }
0x48: {  	_ =	shalt  }
0x49: {  	_ =	shalt  }
0x4a: {  	_ =	shalt  }
0x4b: {  	_ =	shalt  }
0x4c: {  	_ =	shalt  }
0x4d: {  	_ =	shalt  }
0x4e: {  	_ =	shalt  }
0x4f: {  	_ =	shalt  }
0x50: {  	_ =	shalt  }
0x51: {  	_ =	shalt  }
0x52: {  	_ =	shalt  }
0x53: {  	_ =	shalt  }
0x54: {  	_ =	shalt  }
0x55: {  	_ =	shalt  }
0x56: {  	_ =	shalt  }
0x57: {  	_ =	shalt  }
0x58: {  	_ =	shalt  }
0x59: {  	_ =	shalt  }
0x5a: {  	_ =	shalt  }
0x5b: {  	_ =	shalt  }
0x5c: {  	_ =	shalt  }
0x5d: {  	_ =	shalt  }
0x5e: {  	_ =	shalt  }
0x5f: {  	_ =	shalt  }
0x60: {  	_ =	shalt  }
0x61: {  	_ =	shalt  }
0x62: {  	_ =	shalt  }
0x63: {  	_ =	shalt  }
0x64: {  	_ =	shalt  }
0x65: {  	_ =	shalt  }
0x66: {  	_ =	shalt  }
0x67: {  	_ =	shalt  }
0x68: {  	_ =	shalt  }
0x69: {  	_ =	shalt  }
0x6a: {  	_ =	shalt  }
0x6b: {  	_ =	shalt  }
0x6c: {  	_ =	shalt  }
0x6d: {  	_ =	shalt  }
0x6e: {  	_ =	shalt  }
0x6f: {  	_ =	shalt  }
0x70: {  	_ =	shalt  }
0x71: {  	_ =	shalt  }
0x72: {  	_ =	shalt  }
0x73: {  	_ =	shalt  }
0x74: {  	_ =	shalt  }
0x75: {  	_ =	shalt  }
0x76: {  	_ =	shalt  }
0x77: {  	_ =	shalt  }
0x78: {  	_ =	shalt  }
0x79: {  	_ =	shalt  }
0x7a: {  	_ =	shalt  }
0x7b: {  	_ =	shalt  }
0x7c: {  	_ =	shalt  }
0x7d: {  	_ =	shalt  }
0x7e: {  	_ =	shalt  }
0x7f: {  	_ =	shalt  }
0x80: {  	_ =	shalt  }
0x81: {  	_ =	shalt  }
0x82: {  	_ =	shalt  }
0x83: {  	_ =	shalt  }
0x84: {  	_ =	shalt  }
0x85: {  	_ =	shalt  }
0x86: {  	_ =	shalt  }
0x87: {  	_ =	shalt  }
.Lfunc_end0:
.L_simem_size_0:
called_computation.2_lowered:
.L_overlay_start_0:
0x88: {  	s2 =	sld [smem:$0x3FD9]  }
0x89: {  	s3 =	sld [smem:$0x3FFE];
	_ =	sdelay $0x1  }
0x8a: {  	s1 =	srdreg.scid  }
0x8b: {  	s0 =	sand.u32 $0x1, s1  }
0x8c: {  	s16 =	sshll.u32 s0, $0xA;
	s2 =	sadd.s32 s3, s2  }
0x8d: {  	s2 =	sadd.s32 s2, s16  }
0x8e: {  	[smem:$0x3FB5] =	sst s2  }
0x8f: {  	_ = 	snop  }
0x90: {  	(tm) =	ssettm $0x1  }
0x91: {  	s17 =	sld [smem:$0x3FFB];
	_ =	sdelay $0x3  }
0x92: {  	_ =	strace s17  }
0x93: {  	s2 =	sld [smem:$0x3FFC];
	_ =	sdelay $0x3  }
0x94: {  	_ =	strace s2  }
0x95: {  	s2 =	sld [smem:$0x3FFD];
	_ =	sdelay $0x3  }
0x96: {  	_ =	strace s2  }
0x97: {  	_ =	strace $0x8FFFFFFF  }
0x98: {  	s18 =	sld [smem:$0x3FDB];
	_ =	sdelay $0x1  }
0x99: {  	s19 =	simm.s32 $_scs_section_size  }
0x9a: {  	s4 =	simm.s32 $_size__tile_overlayer_lowered;
	s5 =	simm.s32 $_tile_overlayer_lowered  }
0x9b: {  	s22 =	simm.s32 $0x1BFF;
	s21 =	sshll.u32 s5, $0x1;
	s2 =	sadd.s32 s19, s18  }
0x9c: {  	s6 =	simm.s32 $0x0;
	s20 =	sshll.u32 s4, $0x1;
	s4 =	sadd.s32 s21, s2  }
0x9d: {  	[timem:s6], [sflag:s22] =	dma.local [hbm:s4], s20  }
0x9e: {  	_ =	swait.ge [sflag:s22], s20  }
0x9f: {  	s3 =	ssub.s32 $0x0, s20;
	[sflag:s22] =	ssyncset.done $0x0  }
0xa0: {  	[sflag:s22] =	ssyncadd.s32 s3;
	_ =	sdelay $0x1  }
0xa1: {  	s23 =	simm.s32 $0x1B8B  }
0xa2: {  	_ =	swait.ge [sflag:s23], $0x1  }
0xa3: {  	[sflag:s23] =	ssyncset.done $0x0  }
0xa4: {  	s25 =	simm.s32 $0x1B8E;
	s24 =	sld [smem:$0x3FFE];
	[sflag:s23] =	ssyncadd.s32 $0xFFFFFFFF  }
0xa5: {  	s26 =	simm.s32 $execute0_lowered;
	[smem:$0x3FD2] =	sst s25  }
0xa6: {  	s4 =	sshll.u32 s26, $0x1;
	_ =	strace $0x8000004C;
	[dreg:$0x1] =	wrdreg $0xFFFFFFFF  }
0xa7: {  	s28 =	simm.s32 $_size_execute0_lowered;
	s2 =	sadd.s32 s2, s4;
	[dreg:$0x0] =	wrdreg $0x0  }
0xa8: {  	s4 =	sshll.u32 s28, $0x1;
	[dreg:$0x2] =	wrdreg s2  }
0xa9: {  	[dreg:$0x3] =	wrdreg s4  }
0xaa: {  	[dreg:$0x4] =	wrdreg $0xC0  }
0xab: {  	_ =	task [dreg:s6], $0x5FFFF  }
0xac: {  	[dreg:$0x1] =	wrdreg $0xFFFFFFFF  }
0xad: {  	[dreg:$0x0] =	wrdreg $0x60  }
0xae: {  	[dreg:$0x2] =	wrdreg s24  }
0xaf: {  	[dreg:$0x3] =	wrdreg $0x91000  }
0xb0: {  	[dreg:$0x4] =	wrdreg $0x9  }
0xb1: {  	_ =	task.clear_ibuf [dreg:s6], $0x5FFFF;
	_ =	strace $0x9000004C  }
0xb2: {  	s29 =	simm.s32 $0x9;
	_ =	strace $0x8000004E  }
0xb3: {  	_ =	swait.ge [sflag:s29], $0x1  }
0xb4: {  	[sflag:s29] =	ssyncadd.s32 $0xFFFFFFFF  }
0xb5: {  	_ =	strace $0x9000004E  }
0xb6: {  	_ =	sfence  }
0xb7: {  	s30 =	sld [smem:$0x0];
	_ =	sdelay $0x2  }
0xb8: {  	s31 =	sshll.u32 s1, $0xD;
	s1 =	sshrl.u32 s1, $0x2  }
0xb9: {  	s3 =	sand.u32 $0x4000, s31;
	s1 =	sadd.s32 s1, s30  }
0xba: {  	s0 =	sor.u32 s3, s0;
	s1 =	sshll.u32 s1, $0x11  }
0xbb: {  	s0 =	sor.u32 s1, s0  }
0xbc: {  	s0 =	sadd.s32 $0x8F2B, s0  }
0xbd: {  	[sflag:s0] =	ssyncadd.remote.s32 $0x1  }
0xbe: {  	_ =	sfence.sel $0xFFFF  }
0xbf: {  	[dreg:$0x0] =	wrdreg $0xFFFFFFFF;
	(pc) =	sbr.abs _section_cstart, $3  }
0xc0: {  	[dreg:$0x1] =	wrdreg $0xFFFFFFFF  }
0xc1: {  	_ =	task.clear_ibuf [dreg:s6], $0x2FFFF;
	_ =	strace $0x9FFFFFFF  }
0xc2: {  	(tm) =	ssettm $0x7FFFFFFF  }
0xc3: {  	_ =	shalt  }
tec
execute0_lowered:
.L_overlay_start_1:
0x0: {  	(tag) =	ssettag $0x1  }
0x1: {  	s5 =	rddreg [dreg:$0x0]  }
0x2: {  	s1 =	rddreg [dreg:$0x1]  }
0x3: {  	s0 =	rddreg [dreg:$0x2];
	s2 =	simm.s32 $0x0  }
0x4: {  	s6 =	srdreg.scid;
	s3 =	stileid.u32;
	s15 =	simm.s32 $0x5100  }
0x5: {  	s16 =	simm.s32 $0x7100;
	s17 =	simm.s32 $0x1;
	s18 =	simm.s32 $0x4  }
0x6: {  	s19 =	simm.s32 $0x2;
	s20 =	simm.s32 $0x5080;
	[smem:$0x7FF] =	sst s2  }
0x7: {  	s4 =	sadd.s32 $0x18600, s5;
	s6 =	sand.u32 $0x1, s6;
	s8 =	sshll.u32 s3, $0x4  }
0x8: {  	s9 =	smul.u32 $0x9E00, s3;
	s31 =	sshll.u32 s3, $0x6;
	_ =	strace $0x8000004D  }
0x9: {  	s7 =	sshll.u32 s6, $0x8;
	s29 =	smul.u32 $0x13C00, s6;
	s6 =	ssub.s32 $0x2, s6  }
0xa: {  	s7 =	sor.u32 s8, s7;
	s21 =	sshrl.u32 s9, $0x3;
	s30 =	sshrl.u32 s6, $0x1  }
0xb: {  	s14 =	sadd.s32 s9, s1;
	s10 =	sadd.s32 s7, s5;
	s11 =	sadd.s32 s21, s5  }
0xc: {  	s12 =	sadd.s32 s29, s5;
	s13 =	ssub.s32 s6, s30;
	s6 =	sor.u32 $0x1C03, s31  }
0xd: {  	s5 =	sadd.s32 $0x2C200, s11;
	s7 =	sadd.s32 $0x4200, s10;
	s8 =	sadd.s32 $0xE400, s10  }
0xe: {  	s22 =	sadd.s32 $0x3FE00, s12;
	s9 =	smax.u32 s13, $0x1;
	s10 =	sshrl.u32 s14, $0x3  }
0xf: {  	s11 =	simm.s32 $0x3;
	s12 =	simm.s32 $0x80;
	s13 =	simm.s32 $0x1000  }
0x10: {  	s14 =	simm.s32 $0x2880;
	s21 =	sadd.s32 s21, s22;
	s22 =	simm.s32 $0x0  }
.LBB2_1:
0x11: {  	[spmem:s10], [sflag:s6] =	dma.local [hbm:s5], $0x13C0  }
0x12: {  	_ =	swait.ge [sflag:s11], $0x13C0  }
0x13: {  	[sflag:s11] =	ssyncset.done $0x0  }
0x14: {  	[sflag:s11] =	ssyncadd.s32 $0xFFFFEC40  }
0x15: {  	[tilespmem:s2], [sflag:$0x3] =	stream.strided.gather [hbm4b:s7+s12], $0x2880, s13, s12, $0x38;
	[tilespmem:$0x12F00] =	vst v63  }
0x16: {  	_ =	swait.ge [sflag:s11], $0x2880  }
0x17: {  	[sflag:s11] =	ssyncset.done $0x0  }
0x18: {  	[sflag:s11] =	ssyncadd.s32 $0xFFFFD780  }
0x19: {  	[tilespmem:s14], [sflag:$0x3] =	stream.strided.gather [hbm4b:s8+s12], $0x2880, s13, s12, $0x38;
	[tilespmem:$0x12F00] =	vst v63  }
0x1a: {  	_ =	swait.ge [sflag:s11], $0x2880  }
0x1b: {  	[sflag:s11] =	ssyncset.done $0x0  }
0x1c: {  	[sflag:s11] =	ssyncadd.s32 $0xFFFFD780  }
0x1d: {  	[bflag:$0x0] =	sbarrier.arrive $0xFFFF  }
0x1e: {  	[tilespmem:s15], [sflag:$0x1] =	stream.indirect.gather [hbm4b:s4+s12], $0x40, s2, s12, $0xb8;
	[tilespmem:$0x12F00] =	vst v63  }
0x1f: {  	s23 =	simm.s32 $0x80  }
0x20: {  	[tilespmem:s16], [sflag:$0x2] =	stream.indirect.gather [hbm4b:s4+s12], $0x40, s23, s12, $0xb8;
	[tilespmem:$0x12F00] =	vst v63  }
0x21: {  	_ =	swait.ge [sflag:s17], $0x2000  }
0x22: {  	[sflag:s17] =	ssyncset.done $0x0  }
0x23: {  	s29 =	simm.s32 $0x2880;
	[sflag:s17] =	ssyncadd.s32 $0xFFFFE000  }
0x24: {  	[spmem:s1] =	stream.indirect.scatter.add.f32 [tilespmem:s15], [sflag:$0x4], $0x40, s29, s12, $0xb8;
	[tilespmem:$0x12F00] =	vst v63  }
0x25: {  	_ =	swait.ge [sflag:s18], $0x2000  }
0x26: {  	[sflag:s18] =	ssyncset.done $0x0  }
0x27: {  	s30 =	simm.s32 $0x100;
	[sflag:s18] =	ssyncadd.s32 $0xFFFFE000  }
0x28: {  	[tilespmem:s15], [sflag:$0x1] =	stream.indirect.gather [hbm4b:s4+s12], $0x40, s30, s12, $0xb8;
	[tilespmem:$0x12F00] =	vst v63  }
0x29: {  	_ =	swait.ge [sflag:s19], $0x2000  }
0x2a: {  	[sflag:s19] =	ssyncset.done $0x0  }
0x2b: {  	s31 =	simm.s32 $0x2900;
	[sflag:s19] =	ssyncadd.s32 $0xFFFFE000  }
0x2c: {  	[spmem:s1] =	stream.indirect.scatter.add.f32 [tilespmem:s16], [sflag:$0x3], $0x40, s31, s12, $0xb8;
	[tilespmem:$0x12F00] =	vst v63  }
0x2d: {  	_ =	swait.ge [sflag:s11], $0x2000  }
0x2e: {  	s24 =	simm.s32 $0x800;
	s23 =	simm.s32 $0x100;
	[sflag:s11] =	ssyncset.done $0x0  }
.LBB2_2:
0x2f: {  	s25 =	sadd.s32 $0x80, s23  }
0x30: {  	[sflag:s11] =	ssyncadd.s32 $0xFFFFE000;
	s26 =	smov.u32 s24;
	s28 =	sadd.s32 $0x400, s24  }
0x31: {  	[tilespmem:s16], [sflag:$0x2] =	stream.indirect.gather [hbm4b:s4+s12], $0x40, s25, s12, $0xb8;
	[tilespmem:$0x12F00] =	vst v63  }
0x32: {  	p0 =	sne.s32 s24, $0x9C00;
	_ =	swait.ge [sflag:s17], $0x2000  }
0x33: {  	[sflag:s17] =	ssyncset.done $0x0  }
0x34: {  	s24 =	sadd.s32 $0x2880, s23;
	[sflag:s17] =	ssyncadd.s32 $0xFFFFE000  }
0x35: {  	[spmem:s1] =	stream.indirect.scatter.add.f32 [tilespmem:s15], [sflag:$0x4], $0x40, s24, s12, $0xb8;
	[tilespmem:$0x12F00] =	vst v63  }
0x36: {  	_ =	swait.ge [sflag:s18], $0x2000  }
0x37: {  	[sflag:s18] =	ssyncset.done $0x0  }
0x38: {  	s24 =	sadd.s32 $0x100, s23;
	[sflag:s18] =	ssyncadd.s32 $0xFFFFE000  }
0x39: {  	[tilespmem:s15], [sflag:$0x1] =	stream.indirect.gather [hbm4b:s4+s12], $0x40, s24, s12, $0xb8;
	[tilespmem:$0x12F00] =	vst v63  }
0x3a: {  	_ =	swait.ge [sflag:s19], $0x2000  }
.Ltmp0:
0x3b: {  	[sflag:s19] =	ssyncset.done $0x0;
	(pc) =	sbr.rel @p0 .LBB2_2-.Ltmp0, $4  }
0x3c: {  	s23 =	sadd.s32 $0x2900, s23;
	[sflag:s19] =	ssyncadd.s32 $0xFFFFE000  }
0x3d: {  	[spmem:s1] =	stream.indirect.scatter.add.f32 [tilespmem:s16], [sflag:$0x3], $0x40, s23, s12, $0xb8;
	[tilespmem:$0x12F00] =	vst v63  }
0x3e: {  	_ =	swait.ge [sflag:s11], $0x2000  }
0x3f: {  	s24 =	smov.u32 s28;
	s23 =	sshra.s32 s26, $0x2;
	[sflag:s11] =	ssyncset.done $0x0  }
0x40: {  	s24 =	sadd.s32 $0x80, s23;
	[sflag:s11] =	ssyncadd.s32 $0xFFFFE000  }
0x41: {  	[tilespmem:s16], [sflag:$0x2] =	stream.indirect.gather [hbm4b:s4+s12], $0x40, s24, s12, $0xb8;
	[tilespmem:$0x12F00] =	vst v63  }
0x42: {  	_ =	swait.ge [sflag:s17], $0x2000  }
0x43: {  	[sflag:s17] =	ssyncset.done $0x0  }
0x44: {  	s29 =	sadd.s32 $0x2880, s23;
	[sflag:s17] =	ssyncadd.s32 $0xFFFFE000  }
0x45: {  	[spmem:s1] =	stream.indirect.scatter.add.f32 [tilespmem:s15], [sflag:$0x4], $0x40, s29, s12, $0xb8;
	[tilespmem:$0x12F00] =	vst v63  }
0x46: {  	_ =	swait.ge [sflag:s18], $0x2000  }
0x47: {  	[sflag:s18] =	ssyncset.done $0x0  }
0x48: {  	s30 =	sadd.s32 $0x100, s23;
	[sflag:s18] =	ssyncadd.s32 $0xFFFFE000  }
0x49: {  	[tilespmem:s15], [sflag:$0x1] =	stream.indirect.gather [hbm4b:s4+s12], $0x40, s30, s12, $0xb8;
	[tilespmem:$0x12F00] =	vst v63  }
0x4a: {  	_ =	swait.ge [sflag:s19], $0x2000  }
0x4b: {  	[sflag:s19] =	ssyncset.done $0x0  }
0x4c: {  	s31 =	sadd.s32 $0x2900, s23;
	[sflag:s19] =	ssyncadd.s32 $0xFFFFE000  }
0x4d: {  	[spmem:s1] =	stream.indirect.scatter.add.f32 [tilespmem:s16], [sflag:$0x3], $0x40, s31, s12, $0xb8;
	[tilespmem:$0x12F00] =	vst v63  }
0x4e: {  	_ =	swait.ge [sflag:s11], $0x2000  }
0x4f: {  	[sflag:s11] =	ssyncset.done $0x0  }
0x50: {  	[sflag:s11] =	ssyncadd.s32 $0xFFFFE000  }
0x51: {  	_ =	swait.ge [sflag:s17], $0x2000  }
0x52: {  	[sflag:s17] =	ssyncset.done $0x0  }
0x53: {  	[sflag:s17] =	ssyncadd.s32 $0xFFFFE000  }
0x54: {  	[spmem:s1] =	stream.indirect.scatter.add.f32 [tilespmem:s15], [sflag:$0x4], $0x40, s20, s12, $0xb8;
	[tilespmem:$0x12F00] =	vst v63  }
0x55: {  	_ =	swait.ge [sflag:s18], $0x2000  }
0x56: {  	s22 =	sadd.s32 $0x1, s22;
	[sflag:s18] =	ssyncset.done $0x0  }
0x57: {  	p0 =	sne.s32 s22, s9;
	[sflag:s18] =	ssyncadd.s32 $0xFFFFE000  }
.Ltmp1:
0x58: {  	[bflag:$0x0] =	sbarrier.arrive $0xFFFF;
	(pc) =	sbr.rel @p0 .LBB2_1-.Ltmp1, $4  }
0x59: {  	[hbm:s21], [sflag:s6] =	dma.local [spmem:s10], $0x13C0  }
0x5a: {  	_ =	swait.ge [sflag:s11], $0x13C0  }
0x5b: {  	[sflag:s11] =	ssyncset.done $0x0  }
0x5c: {  	[sflag:s11] =	ssyncadd.s32 $0xFFFFEC40  }
0x5d: {  	_ =	sfence.sel $0x180000  }
0x5e: {  	[bflag:$0x0] =	sbarrier.arrive $0xFFFF  }
0x5f: {  	p0 =	sne.s32 s3, $0x0;
	_ =	strace $0x9000004D  }
0x60: {  	s0 =	sadd.s32 @!p0 $0x100000, s0;
	[bflag:$0x2] =	sbarrier.arrive $0xFFFF  }
0x61: {  	[sflag:s0] =	ssyncadd.tile.s32 @!p0 $0x1;
	_ =	shalt  }
.Lfunc_end2:
_tile_overlayer_lowered:
.L_overlay_start_2:
0x62: {  	(tag) =	ssettag $0x2  }
0x63: {  	s0 =	rddreg [dreg:$0x0];
	s2 =	stileid.u32  }
0x64: {  	s1 =	rddreg [dreg:$0x1];
	p0 =	sne.s32 s2, $0x0  }
0x65: {  	s3 =	rddreg [dreg:$0x2];
	[bflag:$0x3] =	sbarrier.arrive $0xFFFF;
	s2 =	simm.s32 @!p0 $0x1C03  }
0x66: {  	[timem:s3], [sflag:s2] =	dma.local @!p0 [hbm:s0], s1  }
0x67: {  	s0 =	simm.s32 @!p0 $0x3  }
0x68: {  	_ =	swait.ge @!p0 [sflag:s0], s1  }
0x69: {  	s1 =	ssub.s32 @!p0 $0x0, s1;
	[sflag:s0] =	ssyncset.done @!p0 $0x0  }
0x6a: {  	[sflag:s0] =	ssyncadd.s32 @!p0 s1  }
0x6b: {  	[bflag:$0x3] =	sbarrier.arrive $0xFFFF  }
0x6c: {  	_ =	shalt  }

// kernel: kernel.20.cloned.1.call-start
scs
__scs_entry_jumppad:
0x0: {  	(pc) =	sbr.rel $0x88, $3  }
0x1: {  	(tag) =	ssettag $0x0;
	lr =	simm.s32 $0x1  }
0x2: {  	[smem:$0x3F8E] =	sst lr;
	_ =	strace $0xD0000000  }
0x3: {  	_ = 	snop  }
0x4: {  	_ = 	snop  }
0x5: {  	_ = 	snop  }
0x6: {  	_ = 	snop  }
0x7: {  	_ = 	snop  }
__scs_overlays_trampoline_lowered:
0x8: {  	[smem:$0x3F9D] =	sst s0  }
0x9: {  	[smem:$0x3F9E] =	sst s1  }
0xa: {  	[smem:$0x3F9F] =	sst s2  }
0xb: {  	[smem:$0x3FA0] =	sst s3  }
0xc: {  	[smem:$0x3FA1] =	sst s4  }
0xd: {  	[smem:$0x3FA2] =	sst s5  }
0xe: {  	[smem:$0x3FA3] =	sst s6  }
0xf: {  	[smem:$0x3FA4] =	sst s7  }
0x10: {  	[smem:$0x3FA5] =	sst s8  }
0x11: {  	[smem:$0x3FA6] =	sst s9;
	s0 =	simm.s32 @!p0 $0x0  }
0x12: {  	s1 =	sld [smem:$0x3F8C];
	s0 =	simm.s32 @p0 $0x1  }
0x13: {  	[smem:$0x3FA7] =	sst s0;
	s0 =	simm.s32 @!p1 $0x0  }
0x14: {  	s2 =	sld [smem:$0x3F8B];
	s0 =	simm.s32 @p1 $0x1  }
0x15: {  	[smem:$0x3FA8] =	sst s0;
	s0 =	simm.s32 @!p2 $0x0  }
0x16: {  	s3 =	sld [smem:$0x3FDB];
	s0 =	simm.s32 @p2 $0x1  }
0x17: {  	s4 =	simm.s32 $0x1BF5;
	[smem:$0x3FAA] =	sst s0  }
0x18: {  	s0 =	sld [smem:$0x3F8D];
	_ =	swait.ge [sflag:s4], $0x0  }
0x19: {  	s7 =	sld [smem:$0x3F8E]  }
0x1a: {  	s8 =	sadd.s32 $0xFFFFE003, lr  }
0x1b: {  	s9 =	sadd.s32 $0xFFFFFEF7, lr;
	s5 =	simm.s32 $0xFFFFFFFF;
	p2 =	slt.u32 s8, $0xFFFFF086  }
0x1c: {  	p1 =	slt.u32 s9, $0xF7A;
	s5 =	simm.s32 @!p2 $0x0  }
0x1d: {  	s5 =	simm.s32 @p1 $0x1;
	p0 =	seq.s32 s7, s2  }
0x1e: {  	s7 =	smul.u32 @!p0 $0xF7A, s2;
	p2 =	seq.s32 @!p0 s5, $0x0  }
0x1f: {  	s9 =	smul.u32 $0xF7A, s1;
	s8 =	simm.s32 @!p0 $0x1BF5;
	p2 =	por !p2, p0  }
0x20: {  	[sflag:s8] =	ssyncset.s32 @!p0 $0xFFFFF086;
	s6 =	sadd.s32 @!p0 s3, s7;
	s7 =	simm.s32 @!p0 $0x108  }
0x21: {  	s3 =	sadd.s32 s3, s9;
	s6 =	sadd.s32 @!p0 $0x88, s6;
	s7 =	simm.s32 @p2 $0x1082  }
0x22: {  	[simem:s7], [sflag:s8] =	dma.local @!p0 [hbm:s6], $0xF7A  }
0x23: {  	s9 =	sor.u32 $0xD0000000, s2;
	s6 =	simm.s32 $0x108;
	_ =	swait.ge @!p0 [sflag:s8], $0x0  }
0x24: {  	s3 =	sadd.s32 $0x88, s3;
	s6 =	simm.s32 @!p1 $0x1082;
	[sflag:s4] =	ssyncset.s32 $0xFFFFF086  }
0x25: {  	[simem:s6], [sflag:s4] =	dma.local [hbm:s3], $0xF7A  }
0x26: {  	[smem:$0x3F8E] =	sst s1;
	(tag) =	ssettag s2;
	_ =	strace s9  }
0x27: {  	s1 =	sld [smem:$0x3F9E]  }
0x28: {  	s2 =	sld [smem:$0x3F9F]  }
0x29: {  	s4 =	sld [smem:$0x3FA1]  }
0x2a: {  	p0 =	seq.s32 s5, $0x0;
	s5 =	sld [smem:$0x3FA2]  }
0x2b: {  	s6 =	sld [smem:$0x3FA3]  }
0x2c: {  	s7 =	sld [smem:$0x3FA4]  }
0x2d: {  	s3 =	simm.s32 $0x108;
	s8 =	sld [smem:$0x3FA5]  }
0x2e: {  	s3 =	simm.s32 @!p0 $0x1082;
	s9 =	sld [smem:$0x3FA6]  }
0x2f: {  	lr =	sadd.s32 s0, s3;
	s0 =	sld [smem:$0x3F9D]  }
0x30: {  	s3 =	sld [smem:$0x3FA0]  }
0x31: {  	[smem:$0x3FA9] =	sst s10  }
0x32: {  	s10 =	sld [smem:$0x3FA7];
	_ =	sdelay $0x3  }
0x33: {  	p0 =	seq.s32 s10, $0x1;
	s10 =	sld [smem:$0x3FA9];
	_ =	sdelay $0x3  }
0x34: {  	[smem:$0x3FA9] =	sst s10  }
0x35: {  	s10 =	sld [smem:$0x3FA8];
	_ =	sdelay $0x3  }
0x36: {  	p1 =	seq.s32 s10, $0x1;
	s10 =	sld [smem:$0x3FA9];
	_ =	sdelay $0x3  }
0x37: {  	[smem:$0x3FA9] =	sst s10  }
0x38: {  	s10 =	sld [smem:$0x3FAA]  }
0x39: {  	_ = 	snop;
	(pc) =	sbr.ind lr, $3  }
0x3a: {  	_ = 	snop  }
0x3b: {  	_ = 	snop  }
0x3c: {  	p2 =	seq.s32 s10, $0x1;
	s10 =	sld [smem:$0x3FA9]  }
0x3d: {  	_ =	shalt  }
0x3e: {  	_ =	shalt  }
0x3f: {  	_ =	shalt  }
0x40: {  	_ =	shalt  }
0x41: {  	_ =	shalt  }
0x42: {  	_ =	shalt  }
0x43: {  	_ =	shalt  }
0x44: {  	_ =	shalt  }
0x45: {  	_ =	shalt  }
0x46: {  	_ =	shalt  }
0x47: {  	_ =	shalt  }
0x48: {  	_ =	shalt  }
0x49: {  	_ =	shalt  }
0x4a: {  	_ =	shalt  }
0x4b: {  	_ =	shalt  }
0x4c: {  	_ =	shalt  }
0x4d: {  	_ =	shalt  }
0x4e: {  	_ =	shalt  }
0x4f: {  	_ =	shalt  }
0x50: {  	_ =	shalt  }
0x51: {  	_ =	shalt  }
0x52: {  	_ =	shalt  }
0x53: {  	_ =	shalt  }
0x54: {  	_ =	shalt  }
0x55: {  	_ =	shalt  }
0x56: {  	_ =	shalt  }
0x57: {  	_ =	shalt  }
0x58: {  	_ =	shalt  }
0x59: {  	_ =	shalt  }
0x5a: {  	_ =	shalt  }
0x5b: {  	_ =	shalt  }
0x5c: {  	_ =	shalt  }
0x5d: {  	_ =	shalt  }
0x5e: {  	_ =	shalt  }
0x5f: {  	_ =	shalt  }
0x60: {  	_ =	shalt  }
0x61: {  	_ =	shalt  }
0x62: {  	_ =	shalt  }
0x63: {  	_ =	shalt  }
0x64: {  	_ =	shalt  }
0x65: {  	_ =	shalt  }
0x66: {  	_ =	shalt  }
0x67: {  	_ =	shalt  }
0x68: {  	_ =	shalt  }
0x69: {  	_ =	shalt  }
0x6a: {  	_ =	shalt  }
0x6b: {  	_ =	shalt  }
0x6c: {  	_ =	shalt  }
0x6d: {  	_ =	shalt  }
0x6e: {  	_ =	shalt  }
0x6f: {  	_ =	shalt  }
0x70: {  	_ =	shalt  }
0x71: {  	_ =	shalt  }
0x72: {  	_ =	shalt  }
0x73: {  	_ =	shalt  }
0x74: {  	_ =	shalt  }
0x75: {  	_ =	shalt  }
0x76: {  	_ =	shalt  }
0x77: {  	_ =	shalt  }
0x78: {  	_ =	shalt  }
0x79: {  	_ =	shalt  }
0x7a: {  	_ =	shalt  }
0x7b: {  	_ =	shalt  }
0x7c: {  	_ =	shalt  }
0x7d: {  	_ =	shalt  }
0x7e: {  	_ =	shalt  }
0x7f: {  	_ =	shalt  }
0x80: {  	_ =	shalt  }
0x81: {  	_ =	shalt  }
0x82: {  	_ =	shalt  }
0x83: {  	_ =	shalt  }
0x84: {  	_ =	shalt  }
0x85: {  	_ =	shalt  }
0x86: {  	_ =	shalt  }
0x87: {  	_ =	shalt  }
.Lfunc_end0:
.L_simem_size_0:
called_computation.3_lowered:
.L_overlay_start_0:
0x88: {  	s2 =	sld [smem:$0x3FD9]  }
0x89: {  	s3 =	sld [smem:$0x3FFE];
	_ =	sdelay $0x1  }
0x8a: {  	s1 =	srdreg.scid  }
0x8b: {  	s0 =	sand.u32 $0x1, s1  }
0x8c: {  	s16 =	sshll.u32 s0, $0xA;
	s2 =	sadd.s32 s3, s2  }
0x8d: {  	s2 =	sadd.s32 s2, s16  }
0x8e: {  	[smem:$0x3FB5] =	sst s2  }
0x8f: {  	_ = 	snop  }
0x90: {  	(tm) =	ssettm $0x1  }
0x91: {  	s17 =	sld [smem:$0x3FFB];
	_ =	sdelay $0x3  }
0x92: {  	_ =	strace s17  }
0x93: {  	s2 =	sld [smem:$0x3FFC];
	_ =	sdelay $0x3  }
0x94: {  	_ =	strace s2  }
0x95: {  	s2 =	sld [smem:$0x3FFD];
	_ =	sdelay $0x3  }
0x96: {  	_ =	strace s2  }
0x97: {  	_ =	strace $0x8FFFFFFF  }
0x98: {  	s18 =	sld [smem:$0x3FDB];
	_ =	sdelay $0x1  }
0x99: {  	s19 =	simm.s32 $_scs_section_size  }
0x9a: {  	s4 =	simm.s32 $_size__tile_overlayer_lowered;
	s5 =	simm.s32 $_tile_overlayer_lowered  }
0x9b: {  	s22 =	simm.s32 $0x1BFF;
	s21 =	sshll.u32 s5, $0x1;
	s2 =	sadd.s32 s19, s18  }
0x9c: {  	s6 =	simm.s32 $0x0;
	s20 =	sshll.u32 s4, $0x1;
	s4 =	sadd.s32 s21, s2  }
0x9d: {  	[timem:s6], [sflag:s22] =	dma.local [hbm:s4], s20  }
0x9e: {  	_ =	swait.ge [sflag:s22], s20  }
0x9f: {  	s3 =	ssub.s32 $0x0, s20;
	[sflag:s22] =	ssyncset.done $0x0  }
0xa0: {  	[sflag:s22] =	ssyncadd.s32 s3;
	_ =	sdelay $0x1  }
0xa1: {  	s23 =	simm.s32 $0x1B8B  }
0xa2: {  	_ =	swait.ge [sflag:s23], $0x1  }
0xa3: {  	[sflag:s23] =	ssyncset.done $0x0  }
0xa4: {  	s25 =	simm.s32 $0x1B8E;
	s24 =	sld [smem:$0x3FFE];
	[sflag:s23] =	ssyncadd.s32 $0xFFFFFFFF  }
0xa5: {  	s26 =	simm.s32 $execute0_lowered;
	[smem:$0x3FD2] =	sst s25  }
0xa6: {  	s4 =	sshll.u32 s26, $0x1;
	_ =	strace $0x8000004F;
	[dreg:$0x1] =	wrdreg $0xFFFFFFFF  }
0xa7: {  	s28 =	simm.s32 $_size_execute0_lowered;
	s2 =	sadd.s32 s2, s4;
	[dreg:$0x0] =	wrdreg $0x0  }
0xa8: {  	s4 =	sshll.u32 s28, $0x1;
	[dreg:$0x2] =	wrdreg s2  }
0xa9: {  	[dreg:$0x3] =	wrdreg s4  }
0xaa: {  	[dreg:$0x4] =	wrdreg $0xC0  }
0xab: {  	_ =	task [dreg:s6], $0x5FFFF  }
0xac: {  	[dreg:$0x1] =	wrdreg $0xFFFFFFFF  }
0xad: {  	[dreg:$0x0] =	wrdreg $0x60  }
0xae: {  	[dreg:$0x2] =	wrdreg s24  }
0xaf: {  	[dreg:$0x3] =	wrdreg $0x71000  }
0xb0: {  	[dreg:$0x4] =	wrdreg $0x9  }
0xb1: {  	_ =	task.clear_ibuf [dreg:s6], $0x5FFFF;
	_ =	strace $0x9000004F  }
0xb2: {  	s29 =	simm.s32 $0x9;
	_ =	strace $0x80000051  }
0xb3: {  	_ =	swait.ge [sflag:s29], $0x1  }
0xb4: {  	[sflag:s29] =	ssyncadd.s32 $0xFFFFFFFF  }
0xb5: {  	_ =	strace $0x90000051  }
0xb6: {  	_ =	sfence  }
0xb7: {  	s30 =	sld [smem:$0x0];
	_ =	sdelay $0x2  }
0xb8: {  	s31 =	sshll.u32 s1, $0xD;
	s1 =	sshrl.u32 s1, $0x2  }
0xb9: {  	s3 =	sand.u32 $0x4000, s31;
	s1 =	sadd.s32 s1, s30  }
0xba: {  	s0 =	sor.u32 s3, s0;
	s1 =	sshll.u32 s1, $0x11  }
0xbb: {  	s0 =	sor.u32 s1, s0  }
0xbc: {  	s0 =	sadd.s32 $0x8F2B, s0  }
0xbd: {  	[sflag:s0] =	ssyncadd.remote.s32 $0x1  }
0xbe: {  	_ =	sfence.sel $0xFFFF  }
0xbf: {  	[dreg:$0x0] =	wrdreg $0xFFFFFFFF;
	(pc) =	sbr.abs _section_cstart, $3  }
0xc0: {  	[dreg:$0x1] =	wrdreg $0xFFFFFFFF  }
0xc1: {  	_ =	task.clear_ibuf [dreg:s6], $0x2FFFF;
	_ =	strace $0x9FFFFFFF  }
0xc2: {  	(tm) =	ssettm $0x7FFFFFFF  }
0xc3: {  	_ =	shalt  }
tec
execute0_lowered:
.L_overlay_start_1:
0x0: {  	(tag) =	ssettag $0x1  }
0x1: {  	s5 =	rddreg [dreg:$0x0]  }
0x2: {  	s1 =	rddreg [dreg:$0x1]  }
0x3: {  	s0 =	rddreg [dreg:$0x2];
	s2 =	simm.s32 $0x0  }
0x4: {  	s6 =	srdreg.scid;
	s3 =	stileid.u32;
	s15 =	simm.s32 $0x5100  }
0x5: {  	s16 =	simm.s32 $0x6100;
	s17 =	simm.s32 $0x1;
	s18 =	simm.s32 $0x4  }
0x6: {  	s19 =	simm.s32 $0x2;
	s20 =	simm.s32 $0x5080;
	[smem:$0x7FF] =	sst s2  }
0x7: {  	s4 =	sadd.s32 $0x18600, s5;
	s6 =	sand.u32 $0x1, s6;
	s8 =	sshll.u32 s3, $0x4  }
0x8: {  	s9 =	smul.u32 $0x4F00, s3;
	s31 =	sshll.u32 s3, $0x6;
	_ =	strace $0x80000050  }
0x9: {  	s7 =	sshll.u32 s6, $0x8;
	s29 =	smul.u32 $0x9E00, s6;
	s6 =	ssub.s32 $0x2, s6  }
0xa: {  	s7 =	sor.u32 s8, s7;
	s21 =	sshrl.u32 s9, $0x3;
	s30 =	sshrl.u32 s6, $0x1  }
0xb: {  	s14 =	sadd.s32 s9, s1;
	s10 =	sadd.s32 s7, s5;
	s11 =	sadd.s32 s21, s5  }
0xc: {  	s12 =	sadd.s32 s29, s5;
	s13 =	ssub.s32 s6, s30;
	s6 =	sor.u32 $0x1C03, s31  }
0xd: {  	s5 =	sadd.s32 $0x22400, s11;
	s7 =	sadd.s32 $0x4200, s10;
	s8 =	sadd.s32 $0xE400, s10  }
0xe: {  	s22 =	sadd.s32 $0x2C200, s12;
	s9 =	smax.u32 s13, $0x1;
	s10 =	sshrl.u32 s14, $0x3  }
0xf: {  	s11 =	simm.s32 $0x3;
	s12 =	simm.s32 $0x80;
	s13 =	simm.s32 $0x1000  }
0x10: {  	s14 =	simm.s32 $0x2880;
	s21 =	sadd.s32 s21, s22;
	s22 =	simm.s32 $0x0  }
.LBB2_1:
0x11: {  	[spmem:s10], [sflag:s6] =	dma.local [hbm:s5], $0x9E0  }
0x12: {  	_ =	swait.ge [sflag:s11], $0x9E0  }
0x13: {  	[sflag:s11] =	ssyncset.done $0x0  }
0x14: {  	[sflag:s11] =	ssyncadd.s32 $0xFFFFF620  }
0x15: {  	[tilespmem:s2], [sflag:$0x3] =	stream.strided.gather [hbm4b:s7+s12], $0x2880, s13, s12, $0x38;
	[tilespmem:$0xC000] =	vst v63  }
0x16: {  	_ =	swait.ge [sflag:s11], $0x2880  }
0x17: {  	[sflag:s11] =	ssyncset.done $0x0  }
0x18: {  	[sflag:s11] =	ssyncadd.s32 $0xFFFFD780  }
0x19: {  	[tilespmem:s14], [sflag:$0x3] =	stream.strided.gather [hbm4b:s8+s12], $0x2880, s13, s12, $0x38;
	[tilespmem:$0xC000] =	vst v63  }
0x1a: {  	_ =	swait.ge [sflag:s11], $0x2880  }
0x1b: {  	[sflag:s11] =	ssyncset.done $0x0  }
0x1c: {  	[sflag:s11] =	ssyncadd.s32 $0xFFFFD780  }
0x1d: {  	[bflag:$0x0] =	sbarrier.arrive $0xFFFF  }
0x1e: {  	[tilespmem:s15], [sflag:$0x1] =	stream.indirect.gather [hbm4b:s4+s12], $0x20, s2, s12, $0xb8;
	[tilespmem:$0xC000] =	vst v63  }
0x1f: {  	s23 =	simm.s32 $0x80  }
0x20: {  	[tilespmem:s16], [sflag:$0x2] =	stream.indirect.gather [hbm4b:s4+s12], $0x20, s23, s12, $0xb8;
	[tilespmem:$0xC000] =	vst v63  }
0x21: {  	_ =	swait.ge [sflag:s17], $0x1000  }
0x22: {  	[sflag:s17] =	ssyncset.done $0x0  }
0x23: {  	s29 =	simm.s32 $0x2880;
	[sflag:s17] =	ssyncadd.s32 $0xFFFFF000  }
0x24: {  	[spmem:s1] =	stream.indirect.scatter.add.f32 [tilespmem:s15], [sflag:$0x4], $0x20, s29, s12, $0xb8;
	[tilespmem:$0xC000] =	vst v63  }
0x25: {  	_ =	swait.ge [sflag:s18], $0x1000  }
0x26: {  	[sflag:s18] =	ssyncset.done $0x0  }
0x27: {  	s30 =	simm.s32 $0x100;
	[sflag:s18] =	ssyncadd.s32 $0xFFFFF000  }
0x28: {  	[tilespmem:s15], [sflag:$0x1] =	stream.indirect.gather [hbm4b:s4+s12], $0x20, s30, s12, $0xb8;
	[tilespmem:$0xC000] =	vst v63  }
0x29: {  	_ =	swait.ge [sflag:s19], $0x1000  }
0x2a: {  	[sflag:s19] =	ssyncset.done $0x0  }
0x2b: {  	s31 =	simm.s32 $0x2900;
	[sflag:s19] =	ssyncadd.s32 $0xFFFFF000  }
0x2c: {  	[spmem:s1] =	stream.indirect.scatter.add.f32 [tilespmem:s16], [sflag:$0x3], $0x20, s31, s12, $0xb8;
	[tilespmem:$0xC000] =	vst v63  }
0x2d: {  	_ =	swait.ge [sflag:s11], $0x1000  }
0x2e: {  	s24 =	simm.s32 $0x800;
	s23 =	simm.s32 $0x100;
	[sflag:s11] =	ssyncset.done $0x0  }
.LBB2_2:
0x2f: {  	s25 =	sadd.s32 $0x80, s23  }
0x30: {  	[sflag:s11] =	ssyncadd.s32 $0xFFFFF000;
	s26 =	smov.u32 s24;
	s28 =	sadd.s32 $0x400, s24  }
0x31: {  	[tilespmem:s16], [sflag:$0x2] =	stream.indirect.gather [hbm4b:s4+s12], $0x20, s25, s12, $0xb8;
	[tilespmem:$0xC000] =	vst v63  }
0x32: {  	p0 =	sne.s32 s24, $0x9C00;
	_ =	swait.ge [sflag:s17], $0x1000  }
0x33: {  	[sflag:s17] =	ssyncset.done $0x0  }
0x34: {  	s24 =	sadd.s32 $0x2880, s23;
	[sflag:s17] =	ssyncadd.s32 $0xFFFFF000  }
0x35: {  	[spmem:s1] =	stream.indirect.scatter.add.f32 [tilespmem:s15], [sflag:$0x4], $0x20, s24, s12, $0xb8;
	[tilespmem:$0xC000] =	vst v63  }
0x36: {  	_ =	swait.ge [sflag:s18], $0x1000  }
0x37: {  	[sflag:s18] =	ssyncset.done $0x0  }
0x38: {  	s24 =	sadd.s32 $0x100, s23;
	[sflag:s18] =	ssyncadd.s32 $0xFFFFF000  }
0x39: {  	[tilespmem:s15], [sflag:$0x1] =	stream.indirect.gather [hbm4b:s4+s12], $0x20, s24, s12, $0xb8;
	[tilespmem:$0xC000] =	vst v63  }
0x3a: {  	_ =	swait.ge [sflag:s19], $0x1000  }
.Ltmp0:
0x3b: {  	[sflag:s19] =	ssyncset.done $0x0;
	(pc) =	sbr.rel @p0 .LBB2_2-.Ltmp0, $4  }
0x3c: {  	s23 =	sadd.s32 $0x2900, s23;
	[sflag:s19] =	ssyncadd.s32 $0xFFFFF000  }
0x3d: {  	[spmem:s1] =	stream.indirect.scatter.add.f32 [tilespmem:s16], [sflag:$0x3], $0x20, s23, s12, $0xb8;
	[tilespmem:$0xC000] =	vst v63  }
0x3e: {  	_ =	swait.ge [sflag:s11], $0x1000  }
0x3f: {  	s24 =	smov.u32 s28;
	s23 =	sshra.s32 s26, $0x2;
	[sflag:s11] =	ssyncset.done $0x0  }
0x40: {  	s24 =	sadd.s32 $0x80, s23;
	[sflag:s11] =	ssyncadd.s32 $0xFFFFF000  }
0x41: {  	[tilespmem:s16], [sflag:$0x2] =	stream.indirect.gather [hbm4b:s4+s12], $0x20, s24, s12, $0xb8;
	[tilespmem:$0xC000] =	vst v63  }
0x42: {  	_ =	swait.ge [sflag:s17], $0x1000  }
0x43: {  	[sflag:s17] =	ssyncset.done $0x0  }
0x44: {  	s29 =	sadd.s32 $0x2880, s23;
	[sflag:s17] =	ssyncadd.s32 $0xFFFFF000  }
0x45: {  	[spmem:s1] =	stream.indirect.scatter.add.f32 [tilespmem:s15], [sflag:$0x4], $0x20, s29, s12, $0xb8;
	[tilespmem:$0xC000] =	vst v63  }
0x46: {  	_ =	swait.ge [sflag:s18], $0x1000  }
0x47: {  	[sflag:s18] =	ssyncset.done $0x0  }
0x48: {  	s30 =	sadd.s32 $0x100, s23;
	[sflag:s18] =	ssyncadd.s32 $0xFFFFF000  }
0x49: {  	[tilespmem:s15], [sflag:$0x1] =	stream.indirect.gather [hbm4b:s4+s12], $0x20, s30, s12, $0xb8;
	[tilespmem:$0xC000] =	vst v63  }
0x4a: {  	_ =	swait.ge [sflag:s19], $0x1000  }
0x4b: {  	[sflag:s19] =	ssyncset.done $0x0  }
0x4c: {  	s31 =	sadd.s32 $0x2900, s23;
	[sflag:s19] =	ssyncadd.s32 $0xFFFFF000  }
0x4d: {  	[spmem:s1] =	stream.indirect.scatter.add.f32 [tilespmem:s16], [sflag:$0x3], $0x20, s31, s12, $0xb8;
	[tilespmem:$0xC000] =	vst v63  }
0x4e: {  	_ =	swait.ge [sflag:s11], $0x1000  }
0x4f: {  	[sflag:s11] =	ssyncset.done $0x0  }
0x50: {  	[sflag:s11] =	ssyncadd.s32 $0xFFFFF000  }
0x51: {  	_ =	swait.ge [sflag:s17], $0x1000  }
0x52: {  	[sflag:s17] =	ssyncset.done $0x0  }
0x53: {  	[sflag:s17] =	ssyncadd.s32 $0xFFFFF000  }
0x54: {  	[spmem:s1] =	stream.indirect.scatter.add.f32 [tilespmem:s15], [sflag:$0x4], $0x20, s20, s12, $0xb8;
	[tilespmem:$0xC000] =	vst v63  }
0x55: {  	_ =	swait.ge [sflag:s18], $0x1000  }
0x56: {  	s22 =	sadd.s32 $0x1, s22;
	[sflag:s18] =	ssyncset.done $0x0  }
0x57: {  	p0 =	sne.s32 s22, s9;
	[sflag:s18] =	ssyncadd.s32 $0xFFFFF000  }
.Ltmp1:
0x58: {  	[bflag:$0x0] =	sbarrier.arrive $0xFFFF;
	(pc) =	sbr.rel @p0 .LBB2_1-.Ltmp1, $4  }
0x59: {  	[hbm:s21], [sflag:s6] =	dma.local [spmem:s10], $0x9E0  }
0x5a: {  	_ =	swait.ge [sflag:s11], $0x9E0  }
0x5b: {  	[sflag:s11] =	ssyncset.done $0x0  }
0x5c: {  	[sflag:s11] =	ssyncadd.s32 $0xFFFFF620  }
0x5d: {  	_ =	sfence.sel $0x180000  }
0x5e: {  	[bflag:$0x0] =	sbarrier.arrive $0xFFFF  }
0x5f: {  	p0 =	sne.s32 s3, $0x0;
	_ =	strace $0x90000050  }
0x60: {  	s0 =	sadd.s32 @!p0 $0x100000, s0;
	[bflag:$0x2] =	sbarrier.arrive $0xFFFF  }
0x61: {  	[sflag:s0] =	ssyncadd.tile.s32 @!p0 $0x1;
	_ =	shalt  }
.Lfunc_end2:
_tile_overlayer_lowered:
.L_overlay_start_2:
0x62: {  	(tag) =	ssettag $0x2  }
0x63: {  	s0 =	rddreg [dreg:$0x0];
	s2 =	stileid.u32  }
0x64: {  	s1 =	rddreg [dreg:$0x1];
	p0 =	sne.s32 s2, $0x0  }
0x65: {  	s3 =	rddreg [dreg:$0x2];
	[bflag:$0x3] =	sbarrier.arrive $0xFFFF;
	s2 =	simm.s32 @!p0 $0x1C03  }
0x66: {  	[timem:s3], [sflag:s2] =	dma.local @!p0 [hbm:s0], s1  }
0x67: {  	s0 =	simm.s32 @!p0 $0x3  }
0x68: {  	_ =	swait.ge @!p0 [sflag:s0], s1  }
0x69: {  	s1 =	ssub.s32 @!p0 $0x0, s1;
	[sflag:s0] =	ssyncset.done @!p0 $0x0  }
0x6a: {  	[sflag:s0] =	ssyncadd.s32 @!p0 s1  }
0x6b: {  	[bflag:$0x3] =	sbarrier.arrive $0xFFFF  }
0x6c: {  	_ =	shalt  }

</sc_bundles>
